<compile_context>
chip_gen: v7x
topology: tpu7x:2x2x1
jax: 0.10.2.dev20260603
libtpu: 0.0.44.dev20260713+nightly
codegen_flags: <defaults>
</compile_context>

<pallas_src>
import functools

import jax
import jax.numpy as jnp
from jax import lax
from jax.experimental import pallas as pl
from jax.experimental.pallas import tpu as pltpu
from jax.experimental.pallas import tpu_sc as plsc

N = 10000
NE = 320000
D = 128

NC = 2
NS = 16
NW = NC * NS
EPW = NE // NW
K = 40
NCH = EPW // K
NACC = 10240
RPT = NACC // NS
KS = 80
EPW2 = NE // NS
NCHS = EPW2 // KS


def _pre_body(v_ref, ws_ref, wr_ref, wn_ref, os_ref, or_ref, on_ref):
    v = v_ref[...]
    os_ref[...] = jnp.dot(v, ws_ref[...], preferred_element_type=jnp.float32)
    or_ref[...] = jnp.dot(v, wr_ref[...], preferred_element_type=jnp.float32)
    on_ref[...] = jnp.dot(v, wn_ref[...], preferred_element_type=jnp.float32)


def _precompute(V2, W1e_s, W1e_r, W1n_v):
    blk = 1000
    return pl.pallas_call(
        _pre_body,
        grid=(N // blk,),
        in_specs=[
            pl.BlockSpec((blk, D), lambda i: (i, 0)),
            pl.BlockSpec((D, D), lambda i: (0, 0)),
            pl.BlockSpec((D, D), lambda i: (0, 0)),
            pl.BlockSpec((D, D), lambda i: (0, 0)),
        ],
        out_specs=[
            pl.BlockSpec((blk, D), lambda i: (i, 0)),
            pl.BlockSpec((blk, D), lambda i: (i, 0)),
            pl.BlockSpec((blk, D), lambda i: (i, 0)),
        ],
        out_shape=[jax.ShapeDtypeStruct((N, D), jnp.float32)] * 3,
    )(V2, W1e_s, W1e_r, W1n_v)


@functools.partial(
    pl.kernel,
    out_type=jax.ShapeDtypeStruct((2 * NE, D), jnp.float32),
    mesh=plsc.VectorSubcoreMesh(core_axis_name="c", subcore_axis_name="s",
                                num_cores=NC, num_subcores=NS),
    scratch_types=[
        pltpu.VMEM((50 * 2 * K,), jnp.int32),
        [pltpu.VMEM((5 * 2 * K, D), jnp.float32)] * 2,
        pltpu.SemaphoreType.DMA,
        pltpu.SemaphoreType.DMA,
    ],
)
def _sc_gather(vwc, idxc, g, ibig, buf, sem, semw):
    wid = lax.axis_index("s") * NC + lax.axis_index("c")
    base = 2 * wid * EPW
    GRP = 5 * 2 * K

    def outer(o, carry):
        pltpu.sync_copy(idxc.at[pl.ds(base + o * 50 * 2 * K, 50 * 2 * K)],
                        ibig)

        def inner(gi, carry2):
            for b in range(2):
                cps = []
                for t in range(5):
                    ch = (2 * gi + b) * 5 + t
                    cps.append(pltpu.async_copy(
                        vwc.at[ibig.at[pl.ds(ch * 2 * K, 2 * K)]],
                        buf[b].at[pl.ds(t * 2 * K, 2 * K)], sem))
                for t in range(5):
                    cps[t].wait()
                off = base + o * 50 * 2 * K + (2 * gi + b) * GRP
                pltpu.async_copy(buf[b], g.at[pl.ds(off, GRP)], semw).wait()
            return carry2

        lax.fori_loop(0, 5, inner, 0)
        return carry

    lax.fori_loop(0, NCH // 50, outer, 0)


def _edge_body(g_ref, e_ref, w1_ref, b1_ref, w2_ref, b2_ref, ee_ref):
    g = g_ref[...]
    h1 = (g[:, :D] + g[:, D:]
          + jnp.dot(e_ref[...], w1_ref[...], preferred_element_type=jnp.float32)
          + b1_ref[...])
    h = h1 * jax.nn.sigmoid(h1)
    ee_ref[...] = (jnp.dot(h, w2_ref[...], preferred_element_type=jnp.float32)
                   + b2_ref[...])


def _edge_mlp(G, E2, W1e_e, b1e, W2e, b2e):
    be = 2000
    return pl.pallas_call(
        _edge_body,
        grid=(NE // be,),
        in_specs=[
            pl.BlockSpec((be, 2 * D), lambda i: (i, 0)),
            pl.BlockSpec((be, D), lambda i: (i, 0)),
            pl.BlockSpec((D, D), lambda i: (0, 0)),
            pl.BlockSpec((1, D), lambda i: (0, 0)),
            pl.BlockSpec((D, D), lambda i: (0, 0)),
            pl.BlockSpec((1, D), lambda i: (0, 0)),
        ],
        out_specs=pl.BlockSpec((be, D), lambda i: (i, 0)),
        out_shape=jax.ShapeDtypeStruct((NE, D), jnp.float32),
    )(G, E2, W1e_e, b1e.reshape(1, D), W2e, b2e.reshape(1, D))


@functools.partial(
    pl.kernel,
    out_type=jax.ShapeDtypeStruct((NC, NACC, D), jnp.float32),
    mesh=plsc.VectorSubcoreMesh(core_axis_name="c", subcore_axis_name="s",
                                num_cores=NC, num_subcores=NS),
    scratch_types=[
        [pltpu.VMEM((KS,), jnp.int32)] * 2,
        [pltpu.VMEM((KS, D), jnp.float32)] * 2,
        pltpu.VMEM_SHARED((NACC, D), jnp.float32),
        pltpu.SemaphoreType.DMA,
    ],
)
def _sc_scatter(ee, idxcat, z_h, t_out, iv, ev, tt, sem):
    c = lax.axis_index("c")
    s = lax.axis_index("s")
    base = c * NE + s * EPW2
    row0 = s * RPT

    pltpu.sync_copy(z_h, ev[0])
    for q in range(RPT // KS):
        pltpu.sync_copy(ev[0], tt.at[pl.ds(row0 + q * KS, KS)])
    plsc.subcore_barrier()

    ones16 = jnp.full((16,), 1.0, jnp.float32)
    col0 = (1 - c) * 64

    def group(p, carry):
        for t in range(2):
            off = base + (2 * p + t) * KS
            pltpu.sync_copy(idxcat.at[pl.ds(off, KS)], iv[t])
            pltpu.sync_copy(ee.at[pl.ds(off - c * NE, KS)], ev[t])

        def fill(r, carry2):
            for t in range(2):
                ev[t][r, pl.ds(col0, 16)] = ones16
            return carry2

        lax.fori_loop(0, KS, fill, 0)
        cps = [pltpu.async_copy(ev[t], tt.at[iv[t]], sem, add=True)
               for t in range(2)]
        for t in range(2):
            cps[t].wait()
        return carry

    lax.fori_loop(0, NCHS // 2, group, 0)
    plsc.subcore_barrier()

    for q in range(RPT // KS):
        r = row0 + q * KS
        pltpu.sync_copy(tt.at[pl.ds(r, KS)], ev[0])
        pltpu.sync_copy(ev[0], t_out.at[c, pl.ds(r, KS)])


def _node_body(t_ref, vn_ref,
               w0_ref, w1_ref, b1_ref, w2_ref, b2_ref, out_ref):
    s0 = t_ref[0, :, 0:64]
    s1 = t_ref[1, :, 64:D]
    cnt0 = t_ref[0, :, 64:65]
    cnt1 = t_ref[1, :, 0:1]
    em0 = s0 / jnp.maximum(cnt0, 1.0)
    em1 = s1 / jnp.maximum(cnt1, 1.0)
    h1 = (vn_ref[...]
          + jnp.dot(em0, w0_ref[...], preferred_element_type=jnp.float32)
          + jnp.dot(em1, w1_ref[...], preferred_element_type=jnp.float32)
          + b1_ref[...])
    h = h1 * jax.nn.sigmoid(h1)
    out_ref[...] = (jnp.dot(h, w2_ref[...], preferred_element_type=jnp.float32)
                    + b2_ref[...])


def _node_mlp(T, VN, W1n_m0, W1n_m1, b1n, W2n, b2n):
    blk = 1000
    return pl.pallas_call(
        _node_body,
        grid=(N // blk,),
        in_specs=[
            pl.BlockSpec((NC, blk, D), lambda i: (0, i, 0)),
            pl.BlockSpec((blk, D), lambda i: (i, 0)),
            pl.BlockSpec((64, D), lambda i: (0, 0)),
            pl.BlockSpec((64, D), lambda i: (0, 0)),
            pl.BlockSpec((1, D), lambda i: (0, 0)),
            pl.BlockSpec((D, D), lambda i: (0, 0)),
            pl.BlockSpec((1, D), lambda i: (0, 0)),
        ],
        out_specs=pl.BlockSpec((blk, D), lambda i: (i, 0)),
        out_shape=jax.ShapeDtypeStruct((N, D), jnp.float32),
    )(T, VN, W1n_m0, W1n_m1,
      b1n.reshape(1, D), W2n, b2n.reshape(1, D))


def kernel(V, E, edges, W1e, b1e, W2e, b2e, W1n, b1n, W2n, b2n):
    V2 = V[0]
    E2 = E[0]
    idx0 = jnp.asarray(edges[0, :, 0], jnp.int32)
    idx1 = jnp.asarray(edges[0, :, 1], jnp.int32)
    idxc = jnp.stack([2 * idx0, 2 * idx1 + 1], axis=1).reshape(2 * NE)
    idxcat = jnp.concatenate([idx0, idx1])
    W1e_s, W1e_r, W1e_e = W1e[0:D], W1e[D:2 * D], W1e[2 * D:]
    W1n_v, W1n_m0, W1n_m1 = W1n[0:D], W1n[D:D + 64], W1n[D + 64:]

    VW_s, VW_r, VN = _precompute(V2, W1e_s, W1e_r, W1n_v)
    VWC = jnp.stack([VW_s, VW_r], axis=1).reshape(2 * N, D)
    G = _sc_gather(VWC, idxc)
    EE = _edge_mlp(G.reshape(NE, 2 * D), E2, W1e_e, b1e, W2e, b2e)

    z40_h = jnp.zeros((KS, D), jnp.float32)
    T = _sc_scatter(EE, idxcat, z40_h)

    NOut = _node_mlp(T, VN, W1n_m0, W1n_m1, b1n, W2n, b2n)
    return (NOut[None], EE[None])

# --- scband reference (transcript-rebuilt; emitter-appended) ---
"""Pipeline reference for scband-gnn-59803124629576 (READ-ONLY COPY).

The authoritative reference and input builder live on the scoring server;
editing this copy changes nothing except your own understanding.
"""

import jax, jax.numpy as jnp
import numpy as np

BS, N, NE, D, DE = 1, 10000, 320000, 128, 128


def _init_linear(key, fan_in, fan_out):
    k1, k2 = jax.random.split(key)
    lim = 1.0 / np.sqrt(fan_in)
    W = jax.random.uniform(k1, (fan_in, fan_out), jnp.float32, -lim, lim)
    b = jax.random.uniform(k2, (fan_out,), jnp.float32, -lim, lim)
    return W, b


def setup_inputs(seed: int = 0) -> dict:
    key = jax.random.key(seed)
    ks = jax.random.split(key, 8)
    V = jax.random.normal(ks[0], (BS, N, D), jnp.float32)
    E = jax.random.normal(ks[1], (BS, NE, DE), jnp.float32)
    edges = jax.random.randint(ks[2], (BS, NE, 2), 0, N)
    # f_edge MLP: Linear(edge_size + 2*node_size -> 128), SiLU, Linear(128 -> edge_size)
    W1e, b1e = _init_linear(ks[3], DE + 2 * D, 128)
    W2e, b2e = _init_linear(ks[4], 128, DE)
    # f_node MLP: Linear(edge_size + node_size -> 128), SiLU, Linear(128 -> output_size)
    W1n, b1n = _init_linear(ks[5], DE + D, 128)
    W2n, b2n = _init_linear(ks[6], 128, D)
    return {"V": V, "E": E, "edges": edges,
            "W1e": W1e, "b1e": b1e, "W2e": W2e, "b2e": b2e,
            "W1n": W1n, "b1n": b1n, "W2n": W2n, "b2n": b2n}


def _mlp2(x, W1, b1, W2, b2):
    h = jax.nn.silu(x @ W1 + b1)
    return h @ W2 + b2


def _scatter_mean(vals, idx, num_segments):
    # torch_scatter-style scatter_mean along dim=1 with batch dim
    def one(v, i):
        s = jax.ops.segment_sum(v, i, num_segments=num_segments)
        c = jax.ops.segment_sum(jnp.ones((i.shape[0],), v.dtype), i, num_segments=num_segments)
        return s / jnp.clip(c, 1.0)[:, None]
    return jax.vmap(one)(vals, idx)


def reference(V, E, edges, W1e, b1e, W2e, b2e, W1n, b1n, W2n, b2n):
    Nn = V.shape[1]
    valid_mask = jnp.all(edges >= 0, axis=-1)
    safe = jnp.clip(edges, 0, Nn - 1)
    senders = jnp.take_along_axis(V, safe[..., 0][..., None], axis=1)
    receivers = jnp.take_along_axis(V, safe[..., 1][..., None], axis=1)
    edge_inpt = jnp.concatenate([senders, receivers, E], axis=-1)
    edge_embeddings = _mlp2(edge_inpt, W1e, b1e, W2e, b2e)
    edge_embeddings = edge_embeddings * valid_mask[..., None].astype(edge_embeddings.dtype)
    e0, e1 = jnp.split(edge_embeddings, 2, axis=-1)
    em0 = _scatter_mean(e0, safe[..., 0], Nn)
    em1 = _scatter_mean(e1, safe[..., 1], Nn)
    edge_mean = jnp.concatenate([em0, em1], axis=-1)
    node_inpt = jnp.concatenate([V, edge_mean], axis=-1)
    node_embeddings = _mlp2(node_inpt, W1n, b1n, W2n, b2n)
    return (node_embeddings, edge_embeddings)

if __name__ == "__main__":
    import jax
    _d = setup_inputs()
    print(jax.jit(kernel)(*tuple(_d.values())))

</pallas_src>

<mosaic_0001>
#map = affine_map<(d0, d1) -> (0, 0)>
#map1 = affine_map<(d0, d1) -> (0)>
#map2 = affine_map<(d0, d1) -> (0, 0, 0)>
module attributes {stable_mosaic.version = 14 : i64} {
  func.func @_sc_scatter(%arg0: i32, %arg1: i32, %arg2: memref<320000x128xf32, #tpu.memory_space<hbm>>, %arg3: memref<640000xi32, #tpu.memory_space<hbm>>, %arg4: memref<80x128xf32, #tpu.memory_space<hbm>>, %arg5: memref<2x10240x128xf32, #tpu.memory_space<hbm>>, %arg6: memref<80xi32, #tpu.memory_space<vmem>>, %arg7: memref<80xi32, #tpu.memory_space<vmem>>, %arg8: memref<80x128xf32, #tpu.memory_space<vmem>>, %arg9: memref<80x128xf32, #tpu.memory_space<vmem>>, %arg10: memref<10240x128xf32, #tpu.memory_space<vmem_shared>>, %arg11: memref<!tpu.dma_semaphore, #tpu.memory_space<semaphore_mem>>) attributes {dimension_semantics = [#tpu.dimension_semantics<core_parallel>, #tpu.dimension_semantics<subcore_parallel>], iteration_bounds = array<i64: 2, 16>, scalar_prefetch = 0 : i64, scratch_operands = 6 : i64, tpu.core_type = #tpu.core_type<sc_vector_subcore>, window_params = [{transform_indices = #map}, {transform_indices = #map1}, {transform_indices = #map}, {transform_indices = #map2}]} {
    %mul3A = arith.constant 320000 : i32
    %mul3A_0 = arith.muli %arg0, %mul3A : i32
    %mul3A_1 = arith.constant 20000 : i32
    %mul3A_2 = arith.muli %arg1, %mul3A_1 : i32
    %add3A = arith.addi %mul3A_0, %mul3A_2 : i32
    %mul3A_3 = arith.constant 640 : i32
    %mul3A_4 = arith.muli %arg1, %mul3A_3 : i32
    "tpu.region"() ({
      %run_scoped3A = tpu.sem_alloc : memref<!tpu.dma_semaphore, #tpu.memory_space<semaphore_mem>>
      tpu.enqueue_dma source(%arg4 : memref<80x128xf32, #tpu.memory_space<hbm>>) target(%arg8 : memref<80x128xf32, #tpu.memory_space<vmem>>) target_semaphore(%run_scoped3A : memref<!tpu.dma_semaphore, #tpu.memory_space<semaphore_mem>>)
      tpu.wait_dma2 semaphore(%run_scoped3A : memref<!tpu.dma_semaphore, #tpu.memory_space<semaphore_mem>>) src(%arg4 : memref<80x128xf32, #tpu.memory_space<hbm>>) dst(%arg8 : memref<80x128xf32, #tpu.memory_space<vmem>>)
      tpu.yield
    }) : () -> ()
    %add3A_5 = arith.constant 0 : i32
    %add3A_6 = arith.addi %mul3A_4, %add3A_5 : i32
    "tpu.region"() ({
      %run_scoped3A = tpu.sem_alloc : memref<!tpu.dma_semaphore, #tpu.memory_space<semaphore_mem>>
      %dma_start3A = arith.constant 0 : i32
      %dma_start3A_47 = tpu.memref_slice %arg10[%add3A_6, %dma_start3A] : memref<10240x128xf32, #tpu.memory_space<vmem_shared>> -> memref<80x128xf32, #tpu.memory_space<vmem_shared>>
      %dma_start3A_48 = arith.constant 0 : i32
      %dma_start3A_49 = tpu.memref_slice %arg10[%add3A_6, %dma_start3A_48] : memref<10240x128xf32, #tpu.memory_space<vmem_shared>> -> memref<80x128xf32, #tpu.memory_space<vmem_shared>>
      tpu.enqueue_dma source(%arg8 : memref<80x128xf32, #tpu.memory_space<vmem>>) target(%dma_start3A_49 : memref<80x128xf32, #tpu.memory_space<vmem_shared>>) target_semaphore(%run_scoped3A : memref<!tpu.dma_semaphore, #tpu.memory_space<semaphore_mem>>)
      %dma_wait3A = arith.constant 0 : i32
      %dma_wait3A_50 = tpu.memref_slice %arg10[%add3A_6, %dma_wait3A] : memref<10240x128xf32, #tpu.memory_space<vmem_shared>> -> memref<80x128xf32, #tpu.memory_space<vmem_shared>>
      %dma_wait3A_51 = arith.constant 0 : i32
      %dma_wait3A_52 = tpu.memref_slice %arg10[%add3A_6, %dma_wait3A_51] : memref<10240x128xf32, #tpu.memory_space<vmem_shared>> -> memref<80x128xf32, #tpu.memory_space<vmem_shared>>
      tpu.wait_dma2 semaphore(%run_scoped3A : memref<!tpu.dma_semaphore, #tpu.memory_space<semaphore_mem>>) src(%arg8 : memref<80x128xf32, #tpu.memory_space<vmem>>) dst(%dma_wait3A_52 : memref<80x128xf32, #tpu.memory_space<vmem_shared>>)
      tpu.yield
    }) : () -> ()
    %add3A_7 = arith.constant 80 : i32
    %add3A_8 = arith.addi %mul3A_4, %add3A_7 : i32
    "tpu.region"() ({
      %run_scoped3A = tpu.sem_alloc : memref<!tpu.dma_semaphore, #tpu.memory_space<semaphore_mem>>
      %dma_start3A = arith.constant 0 : i32
      %dma_start3A_47 = tpu.memref_slice %arg10[%add3A_8, %dma_start3A] : memref<10240x128xf32, #tpu.memory_space<vmem_shared>> -> memref<80x128xf32, #tpu.memory_space<vmem_shared>>
      %dma_start3A_48 = arith.constant 0 : i32
      %dma_start3A_49 = tpu.memref_slice %arg10[%add3A_8, %dma_start3A_48] : memref<10240x128xf32, #tpu.memory_space<vmem_shared>> -> memref<80x128xf32, #tpu.memory_space<vmem_shared>>
      tpu.enqueue_dma source(%arg8 : memref<80x128xf32, #tpu.memory_space<vmem>>) target(%dma_start3A_49 : memref<80x128xf32, #tpu.memory_space<vmem_shared>>) target_semaphore(%run_scoped3A : memref<!tpu.dma_semaphore, #tpu.memory_space<semaphore_mem>>)
      %dma_wait3A = arith.constant 0 : i32
      %dma_wait3A_50 = tpu.memref_slice %arg10[%add3A_8, %dma_wait3A] : memref<10240x128xf32, #tpu.memory_space<vmem_shared>> -> memref<80x128xf32, #tpu.memory_space<vmem_shared>>
      %dma_wait3A_51 = arith.constant 0 : i32
      %dma_wait3A_52 = tpu.memref_slice %arg10[%add3A_8, %dma_wait3A_51] : memref<10240x128xf32, #tpu.memory_space<vmem_shared>> -> memref<80x128xf32, #tpu.memory_space<vmem_shared>>
      tpu.wait_dma2 semaphore(%run_scoped3A : memref<!tpu.dma_semaphore, #tpu.memory_space<semaphore_mem>>) src(%arg8 : memref<80x128xf32, #tpu.memory_space<vmem>>) dst(%dma_wait3A_52 : memref<80x128xf32, #tpu.memory_space<vmem_shared>>)
      tpu.yield
    }) : () -> ()
    %add3A_9 = arith.constant 160 : i32
    %add3A_10 = arith.addi %mul3A_4, %add3A_9 : i32
    "tpu.region"() ({
      %run_scoped3A = tpu.sem_alloc : memref<!tpu.dma_semaphore, #tpu.memory_space<semaphore_mem>>
      %dma_start3A = arith.constant 0 : i32
      %dma_start3A_47 = tpu.memref_slice %arg10[%add3A_10, %dma_start3A] : memref<10240x128xf32, #tpu.memory_space<vmem_shared>> -> memref<80x128xf32, #tpu.memory_space<vmem_shared>>
      %dma_start3A_48 = arith.constant 0 : i32
      %dma_start3A_49 = tpu.memref_slice %arg10[%add3A_10, %dma_start3A_48] : memref<10240x128xf32, #tpu.memory_space<vmem_shared>> -> memref<80x128xf32, #tpu.memory_space<vmem_shared>>
      tpu.enqueue_dma source(%arg8 : memref<80x128xf32, #tpu.memory_space<vmem>>) target(%dma_start3A_49 : memref<80x128xf32, #tpu.memory_space<vmem_shared>>) target_semaphore(%run_scoped3A : memref<!tpu.dma_semaphore, #tpu.memory_space<semaphore_mem>>)
      %dma_wait3A = arith.constant 0 : i32
      %dma_wait3A_50 = tpu.memref_slice %arg10[%add3A_10, %dma_wait3A] : memref<10240x128xf32, #tpu.memory_space<vmem_shared>> -> memref<80x128xf32, #tpu.memory_space<vmem_shared>>
      %dma_wait3A_51 = arith.constant 0 : i32
      %dma_wait3A_52 = tpu.memref_slice %arg10[%add3A_10, %dma_wait3A_51] : memref<10240x128xf32, #tpu.memory_space<vmem_shared>> -> memref<80x128xf32, #tpu.memory_space<vmem_shared>>
      tpu.wait_dma2 semaphore(%run_scoped3A : memref<!tpu.dma_semaphore, #tpu.memory_space<semaphore_mem>>) src(%arg8 : memref<80x128xf32, #tpu.memory_space<vmem>>) dst(%dma_wait3A_52 : memref<80x128xf32, #tpu.memory_space<vmem_shared>>)
      tpu.yield
    }) : () -> ()
    %add3A_11 = arith.constant 240 : i32
    %add3A_12 = arith.addi %mul3A_4, %add3A_11 : i32
    "tpu.region"() ({
      %run_scoped3A = tpu.sem_alloc : memref<!tpu.dma_semaphore, #tpu.memory_space<semaphore_mem>>
      %dma_start3A = arith.constant 0 : i32
      %dma_start3A_47 = tpu.memref_slice %arg10[%add3A_12, %dma_start3A] : memref<10240x128xf32, #tpu.memory_space<vmem_shared>> -> memref<80x128xf32, #tpu.memory_space<vmem_shared>>
      %dma_start3A_48 = arith.constant 0 : i32
      %dma_start3A_49 = tpu.memref_slice %arg10[%add3A_12, %dma_start3A_48] : memref<10240x128xf32, #tpu.memory_space<vmem_shared>> -> memref<80x128xf32, #tpu.memory_space<vmem_shared>>
      tpu.enqueue_dma source(%arg8 : memref<80x128xf32, #tpu.memory_space<vmem>>) target(%dma_start3A_49 : memref<80x128xf32, #tpu.memory_space<vmem_shared>>) target_semaphore(%run_scoped3A : memref<!tpu.dma_semaphore, #tpu.memory_space<semaphore_mem>>)
      %dma_wait3A = arith.constant 0 : i32
      %dma_wait3A_50 = tpu.memref_slice %arg10[%add3A_12, %dma_wait3A] : memref<10240x128xf32, #tpu.memory_space<vmem_shared>> -> memref<80x128xf32, #tpu.memory_space<vmem_shared>>
      %dma_wait3A_51 = arith.constant 0 : i32
      %dma_wait3A_52 = tpu.memref_slice %arg10[%add3A_12, %dma_wait3A_51] : memref<10240x128xf32, #tpu.memory_space<vmem_shared>> -> memref<80x128xf32, #tpu.memory_space<vmem_shared>>
      tpu.wait_dma2 semaphore(%run_scoped3A : memref<!tpu.dma_semaphore, #tpu.memory_space<semaphore_mem>>) src(%arg8 : memref<80x128xf32, #tpu.memory_space<vmem>>) dst(%dma_wait3A_52 : memref<80x128xf32, #tpu.memory_space<vmem_shared>>)
      tpu.yield
    }) : () -> ()
    %add3A_13 = arith.constant 320 : i32
    %add3A_14 = arith.addi %mul3A_4, %add3A_13 : i32
    "tpu.region"() ({
      %run_scoped3A = tpu.sem_alloc : memref<!tpu.dma_semaphore, #tpu.memory_space<semaphore_mem>>
      %dma_start3A = arith.constant 0 : i32
      %dma_start3A_47 = tpu.memref_slice %arg10[%add3A_14, %dma_start3A] : memref<10240x128xf32, #tpu.memory_space<vmem_shared>> -> memref<80x128xf32, #tpu.memory_space<vmem_shared>>
      %dma_start3A_48 = arith.constant 0 : i32
      %dma_start3A_49 = tpu.memref_slice %arg10[%add3A_14, %dma_start3A_48] : memref<10240x128xf32, #tpu.memory_space<vmem_shared>> -> memref<80x128xf32, #tpu.memory_space<vmem_shared>>
      tpu.enqueue_dma source(%arg8 : memref<80x128xf32, #tpu.memory_space<vmem>>) target(%dma_start3A_49 : memref<80x128xf32, #tpu.memory_space<vmem_shared>>) target_semaphore(%run_scoped3A : memref<!tpu.dma_semaphore, #tpu.memory_space<semaphore_mem>>)
      %dma_wait3A = arith.constant 0 : i32
      %dma_wait3A_50 = tpu.memref_slice %arg10[%add3A_14, %dma_wait3A] : memref<10240x128xf32, #tpu.memory_space<vmem_shared>> -> memref<80x128xf32, #tpu.memory_space<vmem_shared>>
      %dma_wait3A_51 = arith.constant 0 : i32
      %dma_wait3A_52 = tpu.memref_slice %arg10[%add3A_14, %dma_wait3A_51] : memref<10240x128xf32, #tpu.memory_space<vmem_shared>> -> memref<80x128xf32, #tpu.memory_space<vmem_shared>>
      tpu.wait_dma2 semaphore(%run_scoped3A : memref<!tpu.dma_semaphore, #tpu.memory_space<semaphore_mem>>) src(%arg8 : memref<80x128xf32, #tpu.memory_space<vmem>>) dst(%dma_wait3A_52 : memref<80x128xf32, #tpu.memory_space<vmem_shared>>)
      tpu.yield
    }) : () -> ()
    %add3A_15 = arith.constant 400 : i32
    %add3A_16 = arith.addi %mul3A_4, %add3A_15 : i32
    "tpu.region"() ({
      %run_scoped3A = tpu.sem_alloc : memref<!tpu.dma_semaphore, #tpu.memory_space<semaphore_mem>>
      %dma_start3A = arith.constant 0 : i32
      %dma_start3A_47 = tpu.memref_slice %arg10[%add3A_16, %dma_start3A] : memref<10240x128xf32, #tpu.memory_space<vmem_shared>> -> memref<80x128xf32, #tpu.memory_space<vmem_shared>>
      %dma_start3A_48 = arith.constant 0 : i32
      %dma_start3A_49 = tpu.memref_slice %arg10[%add3A_16, %dma_start3A_48] : memref<10240x128xf32, #tpu.memory_space<vmem_shared>> -> memref<80x128xf32, #tpu.memory_space<vmem_shared>>
      tpu.enqueue_dma source(%arg8 : memref<80x128xf32, #tpu.memory_space<vmem>>) target(%dma_start3A_49 : memref<80x128xf32, #tpu.memory_space<vmem_shared>>) target_semaphore(%run_scoped3A : memref<!tpu.dma_semaphore, #tpu.memory_space<semaphore_mem>>)
      %dma_wait3A = arith.constant 0 : i32
      %dma_wait3A_50 = tpu.memref_slice %arg10[%add3A_16, %dma_wait3A] : memref<10240x128xf32, #tpu.memory_space<vmem_shared>> -> memref<80x128xf32, #tpu.memory_space<vmem_shared>>
      %dma_wait3A_51 = arith.constant 0 : i32
      %dma_wait3A_52 = tpu.memref_slice %arg10[%add3A_16, %dma_wait3A_51] : memref<10240x128xf32, #tpu.memory_space<vmem_shared>> -> memref<80x128xf32, #tpu.memory_space<vmem_shared>>
      tpu.wait_dma2 semaphore(%run_scoped3A : memref<!tpu.dma_semaphore, #tpu.memory_space<semaphore_mem>>) src(%arg8 : memref<80x128xf32, #tpu.memory_space<vmem>>) dst(%dma_wait3A_52 : memref<80x128xf32, #tpu.memory_space<vmem_shared>>)
      tpu.yield
    }) : () -> ()
    %add3A_17 = arith.constant 480 : i32
    %add3A_18 = arith.addi %mul3A_4, %add3A_17 : i32
    "tpu.region"() ({
      %run_scoped3A = tpu.sem_alloc : memref<!tpu.dma_semaphore, #tpu.memory_space<semaphore_mem>>
      %dma_start3A = arith.constant 0 : i32
      %dma_start3A_47 = tpu.memref_slice %arg10[%add3A_18, %dma_start3A] : memref<10240x128xf32, #tpu.memory_space<vmem_shared>> -> memref<80x128xf32, #tpu.memory_space<vmem_shared>>
      %dma_start3A_48 = arith.constant 0 : i32
      %dma_start3A_49 = tpu.memref_slice %arg10[%add3A_18, %dma_start3A_48] : memref<10240x128xf32, #tpu.memory_space<vmem_shared>> -> memref<80x128xf32, #tpu.memory_space<vmem_shared>>
      tpu.enqueue_dma source(%arg8 : memref<80x128xf32, #tpu.memory_space<vmem>>) target(%dma_start3A_49 : memref<80x128xf32, #tpu.memory_space<vmem_shared>>) target_semaphore(%run_scoped3A : memref<!tpu.dma_semaphore, #tpu.memory_space<semaphore_mem>>)
      %dma_wait3A = arith.constant 0 : i32
      %dma_wait3A_50 = tpu.memref_slice %arg10[%add3A_18, %dma_wait3A] : memref<10240x128xf32, #tpu.memory_space<vmem_shared>> -> memref<80x128xf32, #tpu.memory_space<vmem_shared>>
      %dma_wait3A_51 = arith.constant 0 : i32
      %dma_wait3A_52 = tpu.memref_slice %arg10[%add3A_18, %dma_wait3A_51] : memref<10240x128xf32, #tpu.memory_space<vmem_shared>> -> memref<80x128xf32, #tpu.memory_space<vmem_shared>>
      tpu.wait_dma2 semaphore(%run_scoped3A : memref<!tpu.dma_semaphore, #tpu.memory_space<semaphore_mem>>) src(%arg8 : memref<80x128xf32, #tpu.memory_space<vmem>>) dst(%dma_wait3A_52 : memref<80x128xf32, #tpu.memory_space<vmem_shared>>)
      tpu.yield
    }) : () -> ()
    %add3A_19 = arith.constant 560 : i32
    %add3A_20 = arith.addi %mul3A_4, %add3A_19 : i32
    "tpu.region"() ({
      %run_scoped3A = tpu.sem_alloc : memref<!tpu.dma_semaphore, #tpu.memory_space<semaphore_mem>>
      %dma_start3A = arith.constant 0 : i32
      %dma_start3A_47 = tpu.memref_slice %arg10[%add3A_20, %dma_start3A] : memref<10240x128xf32, #tpu.memory_space<vmem_shared>> -> memref<80x128xf32, #tpu.memory_space<vmem_shared>>
      %dma_start3A_48 = arith.constant 0 : i32
      %dma_start3A_49 = tpu.memref_slice %arg10[%add3A_20, %dma_start3A_48] : memref<10240x128xf32, #tpu.memory_space<vmem_shared>> -> memref<80x128xf32, #tpu.memory_space<vmem_shared>>
      tpu.enqueue_dma source(%arg8 : memref<80x128xf32, #tpu.memory_space<vmem>>) target(%dma_start3A_49 : memref<80x128xf32, #tpu.memory_space<vmem_shared>>) target_semaphore(%run_scoped3A : memref<!tpu.dma_semaphore, #tpu.memory_space<semaphore_mem>>)
      %dma_wait3A = arith.constant 0 : i32
      %dma_wait3A_50 = tpu.memref_slice %arg10[%add3A_20, %dma_wait3A] : memref<10240x128xf32, #tpu.memory_space<vmem_shared>> -> memref<80x128xf32, #tpu.memory_space<vmem_shared>>
      %dma_wait3A_51 = arith.constant 0 : i32
      %dma_wait3A_52 = tpu.memref_slice %arg10[%add3A_20, %dma_wait3A_51] : memref<10240x128xf32, #tpu.memory_space<vmem_shared>> -> memref<80x128xf32, #tpu.memory_space<vmem_shared>>
      tpu.wait_dma2 semaphore(%run_scoped3A : memref<!tpu.dma_semaphore, #tpu.memory_space<semaphore_mem>>) src(%arg8 : memref<80x128xf32, #tpu.memory_space<vmem>>) dst(%dma_wait3A_52 : memref<80x128xf32, #tpu.memory_space<vmem_shared>>)
      tpu.yield
    }) : () -> ()
    %barrier3A = arith.constant 0 : index
    tpu.barrier barrier_id(%barrier3A)
    %broadcast_in_dim3A = arith.constant 1.000000e+00 : f32
    %broadcast_in_dim3A_21 = vector.broadcast %broadcast_in_dim3A : f32 to vector<16xf32>
    %sub3A = arith.constant 1 : i32
    %sub3A_22 = arith.subi %sub3A, %arg0 : i32
    %mul3A_23 = arith.constant 64 : i32
    %mul3A_24 = arith.muli %sub3A_22, %mul3A_23 : i32
    %scan3A = arith.constant 0 : i32
    %scan3A_25 = arith.constant 0 : i32
    %scan3A_26 = arith.constant 125 : i32
    %scan3A_27 = arith.addi %scan3A_25, %scan3A_26 : i32
    %scan3A_28 = arith.constant 1 : i32
    scf.for %scan3A_47 = %scan3A_25 to %scan3A_27 step %scan3A_28  : i32 {
      %mul3A_48 = arith.constant 2 : i32
      %mul3A_49 = arith.muli %mul3A_48, %scan3A_47 : i32
      %add3A_50 = arith.constant 0 : i32
      %add3A_51 = arith.addi %mul3A_49, %add3A_50 : i32
      %mul3A_52 = arith.constant 80 : i32
      %mul3A_53 = arith.muli %add3A_51, %mul3A_52 : i32
      %add3A_54 = arith.addi %add3A, %mul3A_53 : i32
      "tpu.region"() ({
        %run_scoped3A = tpu.sem_alloc : memref<!tpu.dma_semaphore, #tpu.memory_space<semaphore_mem>>
        %dma_start3A_84 = tpu.memref_slice %arg3[%add3A_54] : memref<640000xi32, #tpu.memory_space<hbm>> -> memref<80xi32, #tpu.memory_space<hbm>>
        %dma_start3A_85 = tpu.memref_slice %arg3[%add3A_54] : memref<640000xi32, #tpu.memory_space<hbm>> -> memref<80xi32, #tpu.memory_space<hbm>>
        tpu.enqueue_dma source(%dma_start3A_85 : memref<80xi32, #tpu.memory_space<hbm>>) target(%arg6 : memref<80xi32, #tpu.memory_space<vmem>>) target_semaphore(%run_scoped3A : memref<!tpu.dma_semaphore, #tpu.memory_space<semaphore_mem>>)
        %dma_wait3A_86 = tpu.memref_slice %arg3[%add3A_54] : memref<640000xi32, #tpu.memory_space<hbm>> -> memref<80xi32, #tpu.memory_space<hbm>>
        %dma_wait3A_87 = tpu.memref_slice %arg3[%add3A_54] : memref<640000xi32, #tpu.memory_space<hbm>> -> memref<80xi32, #tpu.memory_space<hbm>>
        tpu.wait_dma2 semaphore(%run_scoped3A : memref<!tpu.dma_semaphore, #tpu.memory_space<semaphore_mem>>) src(%dma_wait3A_87 : memref<80xi32, #tpu.memory_space<hbm>>) dst(%arg6 : memref<80xi32, #tpu.memory_space<vmem>>)
        tpu.yield
      }) : () -> ()
      %mul3A_55 = arith.constant 320000 : i32
      %mul3A_56 = arith.muli %arg0, %mul3A_55 : i32
      %sub3A_57 = arith.subi %add3A_54, %mul3A_56 : i32
      "tpu.region"() ({
        %run_scoped3A = tpu.sem_alloc : memref<!tpu.dma_semaphore, #tpu.memory_space<semaphore_mem>>
        %dma_start3A_84 = arith.constant 0 : i32
        %dma_start3A_85 = tpu.memref_slice %arg2[%sub3A_57, %dma_start3A_84] : memref<320000x128xf32, #tpu.memory_space<hbm>> -> memref<80x128xf32, #tpu.memory_space<hbm>>
        %dma_start3A_86 = arith.constant 0 : i32
        %dma_start3A_87 = tpu.memref_slice %arg2[%sub3A_57, %dma_start3A_86] : memref<320000x128xf32, #tpu.memory_space<hbm>> -> memref<80x128xf32, #tpu.memory_space<hbm>>
        tpu.enqueue_dma source(%dma_start3A_87 : memref<80x128xf32, #tpu.memory_space<hbm>>) target(%arg8 : memref<80x128xf32, #tpu.memory_space<vmem>>) target_semaphore(%run_scoped3A : memref<!tpu.dma_semaphore, #tpu.memory_space<semaphore_mem>>)
        %dma_wait3A_88 = arith.constant 0 : i32
        %dma_wait3A_89 = tpu.memref_slice %arg2[%sub3A_57, %dma_wait3A_88] : memref<320000x128xf32, #tpu.memory_space<hbm>> -> memref<80x128xf32, #tpu.memory_space<hbm>>
        %dma_wait3A_90 = arith.constant 0 : i32
        %dma_wait3A_91 = tpu.memref_slice %arg2[%sub3A_57, %dma_wait3A_90] : memref<320000x128xf32, #tpu.memory_space<hbm>> -> memref<80x128xf32, #tpu.memory_space<hbm>>
        tpu.wait_dma2 semaphore(%run_scoped3A : memref<!tpu.dma_semaphore, #tpu.memory_space<semaphore_mem>>) src(%dma_wait3A_91 : memref<80x128xf32, #tpu.memory_space<hbm>>) dst(%arg8 : memref<80x128xf32, #tpu.memory_space<vmem>>)
        tpu.yield
      }) : () -> ()
      %mul3A_58 = arith.constant 2 : i32
      %mul3A_59 = arith.muli %mul3A_58, %scan3A_47 : i32
      %add3A_60 = arith.constant 1 : i32
      %add3A_61 = arith.addi %mul3A_59, %add3A_60 : i32
      %mul3A_62 = arith.constant 80 : i32
      %mul3A_63 = arith.muli %add3A_61, %mul3A_62 : i32
      %add3A_64 = arith.addi %add3A, %mul3A_63 : i32
      "tpu.region"() ({
        %run_scoped3A = tpu.sem_alloc : memref<!tpu.dma_semaphore, #tpu.memory_space<semaphore_mem>>
        %dma_start3A_84 = tpu.memref_slice %arg3[%add3A_64] : memref<640000xi32, #tpu.memory_space<hbm>> -> memref<80xi32, #tpu.memory_space<hbm>>
        %dma_start3A_85 = tpu.memref_slice %arg3[%add3A_64] : memref<640000xi32, #tpu.memory_space<hbm>> -> memref<80xi32, #tpu.memory_space<hbm>>
        tpu.enqueue_dma source(%dma_start3A_85 : memref<80xi32, #tpu.memory_space<hbm>>) target(%arg7 : memref<80xi32, #tpu.memory_space<vmem>>) target_semaphore(%run_scoped3A : memref<!tpu.dma_semaphore, #tpu.memory_space<semaphore_mem>>)
        %dma_wait3A_86 = tpu.memref_slice %arg3[%add3A_64] : memref<640000xi32, #tpu.memory_space<hbm>> -> memref<80xi32, #tpu.memory_space<hbm>>
        %dma_wait3A_87 = tpu.memref_slice %arg3[%add3A_64] : memref<640000xi32, #tpu.memory_space<hbm>> -> memref<80xi32, #tpu.memory_space<hbm>>
        tpu.wait_dma2 semaphore(%run_scoped3A : memref<!tpu.dma_semaphore, #tpu.memory_space<semaphore_mem>>) src(%dma_wait3A_87 : memref<80xi32, #tpu.memory_space<hbm>>) dst(%arg7 : memref<80xi32, #tpu.memory_space<vmem>>)
        tpu.yield
      }) : () -> ()
      %mul3A_65 = arith.constant 320000 : i32
      %mul3A_66 = arith.muli %arg0, %mul3A_65 : i32
      %sub3A_67 = arith.subi %add3A_64, %mul3A_66 : i32
      "tpu.region"() ({
        %run_scoped3A = tpu.sem_alloc : memref<!tpu.dma_semaphore, #tpu.memory_space<semaphore_mem>>
        %dma_start3A_84 = arith.constant 0 : i32
        %dma_start3A_85 = tpu.memref_slice %arg2[%sub3A_67, %dma_start3A_84] : memref<320000x128xf32, #tpu.memory_space<hbm>> -> memref<80x128xf32, #tpu.memory_space<hbm>>
        %dma_start3A_86 = arith.constant 0 : i32
        %dma_start3A_87 = tpu.memref_slice %arg2[%sub3A_67, %dma_start3A_86] : memref<320000x128xf32, #tpu.memory_space<hbm>> -> memref<80x128xf32, #tpu.memory_space<hbm>>
        tpu.enqueue_dma source(%dma_start3A_87 : memref<80x128xf32, #tpu.memory_space<hbm>>) target(%arg9 : memref<80x128xf32, #tpu.memory_space<vmem>>) target_semaphore(%run_scoped3A : memref<!tpu.dma_semaphore, #tpu.memory_space<semaphore_mem>>)
        %dma_wait3A_88 = arith.constant 0 : i32
        %dma_wait3A_89 = tpu.memref_slice %arg2[%sub3A_67, %dma_wait3A_88] : memref<320000x128xf32, #tpu.memory_space<hbm>> -> memref<80x128xf32, #tpu.memory_space<hbm>>
        %dma_wait3A_90 = arith.constant 0 : i32
        %dma_wait3A_91 = tpu.memref_slice %arg2[%sub3A_67, %dma_wait3A_90] : memref<320000x128xf32, #tpu.memory_space<hbm>> -> memref<80x128xf32, #tpu.memory_space<hbm>>
        tpu.wait_dma2 semaphore(%run_scoped3A : memref<!tpu.dma_semaphore, #tpu.memory_space<semaphore_mem>>) src(%dma_wait3A_91 : memref<80x128xf32, #tpu.memory_space<hbm>>) dst(%arg9 : memref<80x128xf32, #tpu.memory_space<vmem>>)
        tpu.yield
      }) : () -> ()
      %scan3A_68 = arith.constant 0 : i32
      %scan3A_69 = arith.constant 0 : i32
      %scan3A_70 = arith.constant 80 : i32
      %scan3A_71 = arith.addi %scan3A_69, %scan3A_70 : i32
      %scan3A_72 = arith.constant 1 : i32
      scf.for %scan3A_84 = %scan3A_69 to %scan3A_71 step %scan3A_72  : i32 {
        %swap3A = arith.index_cast %scan3A_84 : i32 to index
        %swap3A_85 = arith.index_cast %mul3A_24 : i32 to index
        %swap3A_86 = tpu.vector_load %arg8[%swap3A, %swap3A_85] {strides = array<i32>} : memref<80x128xf32, #tpu.memory_space<vmem>>, vector<1x16xf32>,
        %swap3A_87 = vector.shape_cast %swap3A_86 : vector<1x16xf32> to vector<16xf32>
        %swap3A_88 = vector.shape_cast %broadcast_in_dim3A_21 : vector<16xf32> to vector<1x16xf32>
        tpu.vector_store %arg8[%swap3A, %swap3A_85], %swap3A_88 {strides = array<i32>} : memref<80x128xf32, #tpu.memory_space<vmem>>, vector<1x16xf32>,
        %swap3A_89 = arith.index_cast %scan3A_84 : i32 to index
        %swap3A_90 = arith.index_cast %mul3A_24 : i32 to index
        %swap3A_91 = tpu.vector_load %arg9[%swap3A_89, %swap3A_90] {strides = array<i32>} : memref<80x128xf32, #tpu.memory_space<vmem>>, vector<1x16xf32>,
        %swap3A_92 = vector.shape_cast %swap3A_91 : vector<1x16xf32> to vector<16xf32>
        %swap3A_93 = vector.shape_cast %broadcast_in_dim3A_21 : vector<16xf32> to vector<1x16xf32>
        tpu.vector_store %arg9[%swap3A_89, %swap3A_90], %swap3A_93 {strides = array<i32>} : memref<80x128xf32, #tpu.memory_space<vmem>>, vector<1x16xf32>,
      }
      %scan3A_73 = arith.constant 80 : i32
      %dma_start3A = arith.constant 0 : i32
      %dma_start3A_74 = arith.constant 0 : i32
      %dma_start3A_75 = tpu.memref_slice %arg10[%dma_start3A, %dma_start3A_74] : memref<10240x128xf32, #tpu.memory_space<vmem_shared>> -> memref<10240x128xf32, #tpu.memory_space<vmem_shared>>
      tpu.enqueue_indirect_dma source(%arg8 : memref<80x128xf32, #tpu.memory_space<vmem>>) target(%dma_start3A_75 : memref<10240x128xf32, #tpu.memory_space<vmem_shared>>) offsets(%arg6 : memref<80xi32, #tpu.memory_space<vmem>>) semaphore(%arg11 : memref<!tpu.dma_semaphore, #tpu.memory_space<semaphore_mem>>) {add = true}
      %dma_start3A_76 = arith.constant 0 : i32
      %dma_start3A_77 = arith.constant 0 : i32
      %dma_start3A_78 = tpu.memref_slice %arg10[%dma_start3A_76, %dma_start3A_77] : memref<10240x128xf32, #tpu.memory_space<vmem_shared>> -> memref<10240x128xf32, #tpu.memory_space<vmem_shared>>
      tpu.enqueue_indirect_dma source(%arg9 : memref<80x128xf32, #tpu.memory_space<vmem>>) target(%dma_start3A_78 : memref<10240x128xf32, #tpu.memory_space<vmem_shared>>) offsets(%arg7 : memref<80xi32, #tpu.memory_space<vmem>>) semaphore(%arg11 : memref<!tpu.dma_semaphore, #tpu.memory_space<semaphore_mem>>) {add = true}
      %dma_wait3A = arith.constant 0 : i32
      %dma_wait3A_79 = arith.constant 0 : i32
      %dma_wait3A_80 = tpu.memref_slice %arg10[%dma_wait3A, %dma_wait3A_79] : memref<10240x128xf32, #tpu.memory_space<vmem_shared>> -> memref<10240x128xf32, #tpu.memory_space<vmem_shared>>
      tpu.wait_indirect_dma semaphore(%arg11 : memref<!tpu.dma_semaphore, #tpu.memory_space<semaphore_mem>>) src(%arg8 : memref<80x128xf32, #tpu.memory_space<vmem>>) dst(%dma_wait3A_80 : memref<10240x128xf32, #tpu.memory_space<vmem_shared>>)
      %dma_wait3A_81 = arith.constant 0 : i32
      %dma_wait3A_82 = arith.constant 0 : i32
      %dma_wait3A_83 = tpu.memref_slice %arg10[%dma_wait3A_81, %dma_wait3A_82] : memref<10240x128xf32, #tpu.memory_space<vmem_shared>> -> memref<10240x128xf32, #tpu.memory_space<vmem_shared>>
      tpu.wait_indirect_dma semaphore(%arg11 : memref<!tpu.dma_semaphore, #tpu.memory_space<semaphore_mem>>) src(%arg9 : memref<80x128xf32, #tpu.memory_space<vmem>>) dst(%dma_wait3A_83 : memref<10240x128xf32, #tpu.memory_space<vmem_shared>>)
    }
    %scan3A_29 = arith.constant 125 : i32
    %barrier3A_30 = arith.constant 0 : index
    tpu.barrier barrier_id(%barrier3A_30)
    %add3A_31 = arith.constant 0 : i32
    %add3A_32 = arith.addi %mul3A_4, %add3A_31 : i32
    "tpu.region"() ({
      %run_scoped3A = tpu.sem_alloc : memref<!tpu.dma_semaphore, #tpu.memory_space<semaphore_mem>>
      %dma_start3A = arith.constant 0 : i32
      %dma_start3A_47 = tpu.memref_slice %arg10[%add3A_32, %dma_start3A] : memref<10240x128xf32, #tpu.memory_space<vmem_shared>> -> memref<80x128xf32, #tpu.memory_space<vmem_shared>>
      %dma_start3A_48 = arith.constant 0 : i32
      %dma_start3A_49 = tpu.memref_slice %arg10[%add3A_32, %dma_start3A_48] : memref<10240x128xf32, #tpu.memory_space<vmem_shared>> -> memref<80x128xf32, #tpu.memory_space<vmem_shared>>
      tpu.enqueue_dma source(%dma_start3A_49 : memref<80x128xf32, #tpu.memory_space<vmem_shared>>) target(%arg8 : memref<80x128xf32, #tpu.memory_space<vmem>>) target_semaphore(%run_scoped3A : memref<!tpu.dma_semaphore, #tpu.memory_space<semaphore_mem>>)
      %dma_wait3A = arith.constant 0 : i32
      %dma_wait3A_50 = tpu.memref_slice %arg10[%add3A_32, %dma_wait3A] : memref<10240x128xf32, #tpu.memory_space<vmem_shared>> -> memref<80x128xf32, #tpu.memory_space<vmem_shared>>
      %dma_wait3A_51 = arith.constant 0 : i32
      %dma_wait3A_52 = tpu.memref_slice %arg10[%add3A_32, %dma_wait3A_51] : memref<10240x128xf32, #tpu.memory_space<vmem_shared>> -> memref<80x128xf32, #tpu.memory_space<vmem_shared>>
      tpu.wait_dma2 semaphore(%run_scoped3A : memref<!tpu.dma_semaphore, #tpu.memory_space<semaphore_mem>>) src(%dma_wait3A_52 : memref<80x128xf32, #tpu.memory_space<vmem_shared>>) dst(%arg8 : memref<80x128xf32, #tpu.memory_space<vmem>>)
      tpu.yield
    }) : () -> ()
    "tpu.region"() ({
      %run_scoped3A = tpu.sem_alloc : memref<!tpu.dma_semaphore, #tpu.memory_space<semaphore_mem>>
      %dma_start3A = arith.constant 0 : i32
      %dma_start3A_47 = tpu.memref_slice %arg5[%arg0, %add3A_32, %dma_start3A] : memref<2x10240x128xf32, #tpu.memory_space<hbm>> -> memref<1x80x128xf32, #tpu.memory_space<hbm>>
      %dma_start3A_48 = tpu.memref_squeeze %dma_start3A_47 : memref<1x80x128xf32, #tpu.memory_space<hbm>> -> memref<80x128xf32, #tpu.memory_space<hbm>>
      %dma_start3A_49 = arith.constant 0 : i32
      %dma_start3A_50 = tpu.memref_slice %arg5[%arg0, %add3A_32, %dma_start3A_49] : memref<2x10240x128xf32, #tpu.memory_space<hbm>> -> memref<1x80x128xf32, #tpu.memory_space<hbm>>
      %dma_start3A_51 = tpu.memref_squeeze %dma_start3A_50 : memref<1x80x128xf32, #tpu.memory_space<hbm>> -> memref<80x128xf32, #tpu.memory_space<hbm>>
      tpu.enqueue_dma source(%arg8 : memref<80x128xf32, #tpu.memory_space<vmem>>) target(%dma_start3A_51 : memref<80x128xf32, #tpu.memory_space<hbm>>) target_semaphore(%run_scoped3A : memref<!tpu.dma_semaphore, #tpu.memory_space<semaphore_mem>>)
      %dma_wait3A = arith.constant 0 : i32
      %dma_wait3A_52 = tpu.memref_slice %arg5[%arg0, %add3A_32, %dma_wait3A] : memref<2x10240x128xf32, #tpu.memory_space<hbm>> -> memref<1x80x128xf32, #tpu.memory_space<hbm>>
      %dma_wait3A_53 = tpu.memref_squeeze %dma_wait3A_52 : memref<1x80x128xf32, #tpu.memory_space<hbm>> -> memref<80x128xf32, #tpu.memory_space<hbm>>
      %dma_wait3A_54 = arith.constant 0 : i32
      %dma_wait3A_55 = tpu.memref_slice %arg5[%arg0, %add3A_32, %dma_wait3A_54] : memref<2x10240x128xf32, #tpu.memory_space<hbm>> -> memref<1x80x128xf32, #tpu.memory_space<hbm>>
      %dma_wait3A_56 = tpu.memref_squeeze %dma_wait3A_55 : memref<1x80x128xf32, #tpu.memory_space<hbm>> -> memref<80x128xf32, #tpu.memory_space<hbm>>
      tpu.wait_dma2 semaphore(%run_scoped3A : memref<!tpu.dma_semaphore, #tpu.memory_space<semaphore_mem>>) src(%arg8 : memref<80x128xf32, #tpu.memory_space<vmem>>) dst(%dma_wait3A_56 : memref<80x128xf32, #tpu.memory_space<hbm>>)
      tpu.yield
    }) : () -> ()
    %add3A_33 = arith.constant 80 : i32
    %add3A_34 = arith.addi %mul3A_4, %add3A_33 : i32
    "tpu.region"() ({
      %run_scoped3A = tpu.sem_alloc : memref<!tpu.dma_semaphore, #tpu.memory_space<semaphore_mem>>
      %dma_start3A = arith.constant 0 : i32
      %dma_start3A_47 = tpu.memref_slice %arg10[%add3A_34, %dma_start3A] : memref<10240x128xf32, #tpu.memory_space<vmem_shared>> -> memref<80x128xf32, #tpu.memory_space<vmem_shared>>
      %dma_start3A_48 = arith.constant 0 : i32
      %dma_start3A_49 = tpu.memref_slice %arg10[%add3A_34, %dma_start3A_48] : memref<10240x128xf32, #tpu.memory_space<vmem_shared>> -> memref<80x128xf32, #tpu.memory_space<vmem_shared>>
      tpu.enqueue_dma source(%dma_start3A_49 : memref<80x128xf32, #tpu.memory_space<vmem_shared>>) target(%arg8 : memref<80x128xf32, #tpu.memory_space<vmem>>) target_semaphore(%run_scoped3A : memref<!tpu.dma_semaphore, #tpu.memory_space<semaphore_mem>>)
      %dma_wait3A = arith.constant 0 : i32
      %dma_wait3A_50 = tpu.memref_slice %arg10[%add3A_34, %dma_wait3A] : memref<10240x128xf32, #tpu.memory_space<vmem_shared>> -> memref<80x128xf32, #tpu.memory_space<vmem_shared>>
      %dma_wait3A_51 = arith.constant 0 : i32
      %dma_wait3A_52 = tpu.memref_slice %arg10[%add3A_34, %dma_wait3A_51] : memref<10240x128xf32, #tpu.memory_space<vmem_shared>> -> memref<80x128xf32, #tpu.memory_space<vmem_shared>>
      tpu.wait_dma2 semaphore(%run_scoped3A : memref<!tpu.dma_semaphore, #tpu.memory_space<semaphore_mem>>) src(%dma_wait3A_52 : memref<80x128xf32, #tpu.memory_space<vmem_shared>>) dst(%arg8 : memref<80x128xf32, #tpu.memory_space<vmem>>)
      tpu.yield
    }) : () -> ()
    "tpu.region"() ({
      %run_scoped3A = tpu.sem_alloc : memref<!tpu.dma_semaphore, #tpu.memory_space<semaphore_mem>>
      %dma_start3A = arith.constant 0 : i32
      %dma_start3A_47 = tpu.memref_slice %arg5[%arg0, %add3A_34, %dma_start3A] : memref<2x10240x128xf32, #tpu.memory_space<hbm>> -> memref<1x80x128xf32, #tpu.memory_space<hbm>>
      %dma_start3A_48 = tpu.memref_squeeze %dma_start3A_47 : memref<1x80x128xf32, #tpu.memory_space<hbm>> -> memref<80x128xf32, #tpu.memory_space<hbm>>
      %dma_start3A_49 = arith.constant 0 : i32
      %dma_start3A_50 = tpu.memref_slice %arg5[%arg0, %add3A_34, %dma_start3A_49] : memref<2x10240x128xf32, #tpu.memory_space<hbm>> -> memref<1x80x128xf32, #tpu.memory_space<hbm>>
      %dma_start3A_51 = tpu.memref_squeeze %dma_start3A_50 : memref<1x80x128xf32, #tpu.memory_space<hbm>> -> memref<80x128xf32, #tpu.memory_space<hbm>>
      tpu.enqueue_dma source(%arg8 : memref<80x128xf32, #tpu.memory_space<vmem>>) target(%dma_start3A_51 : memref<80x128xf32, #tpu.memory_space<hbm>>) target_semaphore(%run_scoped3A : memref<!tpu.dma_semaphore, #tpu.memory_space<semaphore_mem>>)
      %dma_wait3A = arith.constant 0 : i32
      %dma_wait3A_52 = tpu.memref_slice %arg5[%arg0, %add3A_34, %dma_wait3A] : memref<2x10240x128xf32, #tpu.memory_space<hbm>> -> memref<1x80x128xf32, #tpu.memory_space<hbm>>
      %dma_wait3A_53 = tpu.memref_squeeze %dma_wait3A_52 : memref<1x80x128xf32, #tpu.memory_space<hbm>> -> memref<80x128xf32, #tpu.memory_space<hbm>>
      %dma_wait3A_54 = arith.constant 0 : i32
      %dma_wait3A_55 = tpu.memref_slice %arg5[%arg0, %add3A_34, %dma_wait3A_54] : memref<2x10240x128xf32, #tpu.memory_space<hbm>> -> memref<1x80x128xf32, #tpu.memory_space<hbm>>
      %dma_wait3A_56 = tpu.memref_squeeze %dma_wait3A_55 : memref<1x80x128xf32, #tpu.memory_space<hbm>> -> memref<80x128xf32, #tpu.memory_space<hbm>>
      tpu.wait_dma2 semaphore(%run_scoped3A : memref<!tpu.dma_semaphore, #tpu.memory_space<semaphore_mem>>) src(%arg8 : memref<80x128xf32, #tpu.memory_space<vmem>>) dst(%dma_wait3A_56 : memref<80x128xf32, #tpu.memory_space<hbm>>)
      tpu.yield
    }) : () -> ()
    %add3A_35 = arith.constant 160 : i32
    %add3A_36 = arith.addi %mul3A_4, %add3A_35 : i32
    "tpu.region"() ({
      %run_scoped3A = tpu.sem_alloc : memref<!tpu.dma_semaphore, #tpu.memory_space<semaphore_mem>>
      %dma_start3A = arith.constant 0 : i32
      %dma_start3A_47 = tpu.memref_slice %arg10[%add3A_36, %dma_start3A] : memref<10240x128xf32, #tpu.memory_space<vmem_shared>> -> memref<80x128xf32, #tpu.memory_space<vmem_shared>>
      %dma_start3A_48 = arith.constant 0 : i32
      %dma_start3A_49 = tpu.memref_slice %arg10[%add3A_36, %dma_start3A_48] : memref<10240x128xf32, #tpu.memory_space<vmem_shared>> -> memref<80x128xf32, #tpu.memory_space<vmem_shared>>
      tpu.enqueue_dma source(%dma_start3A_49 : memref<80x128xf32, #tpu.memory_space<vmem_shared>>) target(%arg8 : memref<80x128xf32, #tpu.memory_space<vmem>>) target_semaphore(%run_scoped3A : memref<!tpu.dma_semaphore, #tpu.memory_space<semaphore_mem>>)
      %dma_wait3A = arith.constant 0 : i32
      %dma_wait3A_50 = tpu.memref_slice %arg10[%add3A_36, %dma_wait3A] : memref<10240x128xf32, #tpu.memory_space<vmem_shared>> -> memref<80x128xf32, #tpu.memory_space<vmem_shared>>
      %dma_wait3A_51 = arith.constant 0 : i32
      %dma_wait3A_52 = tpu.memref_slice %arg10[%add3A_36, %dma_wait3A_51] : memref<10240x128xf32, #tpu.memory_space<vmem_shared>> -> memref<80x128xf32, #tpu.memory_space<vmem_shared>>
      tpu.wait_dma2 semaphore(%run_scoped3A : memref<!tpu.dma_semaphore, #tpu.memory_space<semaphore_mem>>) src(%dma_wait3A_52 : memref<80x128xf32, #tpu.memory_space<vmem_shared>>) dst(%arg8 : memref<80x128xf32, #tpu.memory_space<vmem>>)
      tpu.yield
    }) : () -> ()
    "tpu.region"() ({
      %run_scoped3A = tpu.sem_alloc : memref<!tpu.dma_semaphore, #tpu.memory_space<semaphore_mem>>
      %dma_start3A = arith.constant 0 : i32
      %dma_start3A_47 = tpu.memref_slice %arg5[%arg0, %add3A_36, %dma_start3A] : memref<2x10240x128xf32, #tpu.memory_space<hbm>> -> memref<1x80x128xf32, #tpu.memory_space<hbm>>
      %dma_start3A_48 = tpu.memref_squeeze %dma_start3A_47 : memref<1x80x128xf32, #tpu.memory_space<hbm>> -> memref<80x128xf32, #tpu.memory_space<hbm>>
      %dma_start3A_49 = arith.constant 0 : i32
      %dma_start3A_50 = tpu.memref_slice %arg5[%arg0, %add3A_36, %dma_start3A_49] : memref<2x10240x128xf32, #tpu.memory_space<hbm>> -> memref<1x80x128xf32, #tpu.memory_space<hbm>>
      %dma_start3A_51 = tpu.memref_squeeze %dma_start3A_50 : memref<1x80x128xf32, #tpu.memory_space<hbm>> -> memref<80x128xf32, #tpu.memory_space<hbm>>
      tpu.enqueue_dma source(%arg8 : memref<80x128xf32, #tpu.memory_space<vmem>>) target(%dma_start3A_51 : memref<80x128xf32, #tpu.memory_space<hbm>>) target_semaphore(%run_scoped3A : memref<!tpu.dma_semaphore, #tpu.memory_space<semaphore_mem>>)
      %dma_wait3A = arith.constant 0 : i32
      %dma_wait3A_52 = tpu.memref_slice %arg5[%arg0, %add3A_36, %dma_wait3A] : memref<2x10240x128xf32, #tpu.memory_space<hbm>> -> memref<1x80x128xf32, #tpu.memory_space<hbm>>
      %dma_wait3A_53 = tpu.memref_squeeze %dma_wait3A_52 : memref<1x80x128xf32, #tpu.memory_space<hbm>> -> memref<80x128xf32, #tpu.memory_space<hbm>>
      %dma_wait3A_54 = arith.constant 0 : i32
      %dma_wait3A_55 = tpu.memref_slice %arg5[%arg0, %add3A_36, %dma_wait3A_54] : memref<2x10240x128xf32, #tpu.memory_space<hbm>> -> memref<1x80x128xf32, #tpu.memory_space<hbm>>
      %dma_wait3A_56 = tpu.memref_squeeze %dma_wait3A_55 : memref<1x80x128xf32, #tpu.memory_space<hbm>> -> memref<80x128xf32, #tpu.memory_space<hbm>>
      tpu.wait_dma2 semaphore(%run_scoped3A : memref<!tpu.dma_semaphore, #tpu.memory_space<semaphore_mem>>) src(%arg8 : memref<80x128xf32, #tpu.memory_space<vmem>>) dst(%dma_wait3A_56 : memref<80x128xf32, #tpu.memory_space<hbm>>)
      tpu.yield
    }) : () -> ()
    %add3A_37 = arith.constant 240 : i32
    %add3A_38 = arith.addi %mul3A_4, %add3A_37 : i32
    "tpu.region"() ({
      %run_scoped3A = tpu.sem_alloc : memref<!tpu.dma_semaphore, #tpu.memory_space<semaphore_mem>>
      %dma_start3A = arith.constant 0 : i32
      %dma_start3A_47 = tpu.memref_slice %arg10[%add3A_38, %dma_start3A] : memref<10240x128xf32, #tpu.memory_space<vmem_shared>> -> memref<80x128xf32, #tpu.memory_space<vmem_shared>>
      %dma_start3A_48 = arith.constant 0 : i32
      %dma_start3A_49 = tpu.memref_slice %arg10[%add3A_38, %dma_start3A_48] : memref<10240x128xf32, #tpu.memory_space<vmem_shared>> -> memref<80x128xf32, #tpu.memory_space<vmem_shared>>
      tpu.enqueue_dma source(%dma_start3A_49 : memref<80x128xf32, #tpu.memory_space<vmem_shared>>) target(%arg8 : memref<80x128xf32, #tpu.memory_space<vmem>>) target_semaphore(%run_scoped3A : memref<!tpu.dma_semaphore, #tpu.memory_space<semaphore_mem>>)
      %dma_wait3A = arith.constant 0 : i32
      %dma_wait3A_50 = tpu.memref_slice %arg10[%add3A_38, %dma_wait3A] : memref<10240x128xf32, #tpu.memory_space<vmem_shared>> -> memref<80x128xf32, #tpu.memory_space<vmem_shared>>
      %dma_wait3A_51 = arith.constant 0 : i32
      %dma_wait3A_52 = tpu.memref_slice %arg10[%add3A_38, %dma_wait3A_51] : memref<10240x128xf32, #tpu.memory_space<vmem_shared>> -> memref<80x128xf32, #tpu.memory_space<vmem_shared>>
      tpu.wait_dma2 semaphore(%run_scoped3A : memref<!tpu.dma_semaphore, #tpu.memory_space<semaphore_mem>>) src(%dma_wait3A_52 : memref<80x128xf32, #tpu.memory_space<vmem_shared>>) dst(%arg8 : memref<80x128xf32, #tpu.memory_space<vmem>>)
      tpu.yield
    }) : () -> ()
    "tpu.region"() ({
      %run_scoped3A = tpu.sem_alloc : memref<!tpu.dma_semaphore, #tpu.memory_space<semaphore_mem>>
      %dma_start3A = arith.constant 0 : i32
      %dma_start3A_47 = tpu.memref_slice %arg5[%arg0, %add3A_38, %dma_start3A] : memref<2x10240x128xf32, #tpu.memory_space<hbm>> -> memref<1x80x128xf32, #tpu.memory_space<hbm>>
      %dma_start3A_48 = tpu.memref_squeeze %dma_start3A_47 : memref<1x80x128xf32, #tpu.memory_space<hbm>> -> memref<80x128xf32, #tpu.memory_space<hbm>>
      %dma_start3A_49 = arith.constant 0 : i32
      %dma_start3A_50 = tpu.memref_slice %arg5[%arg0, %add3A_38, %dma_start3A_49] : memref<2x10240x128xf32, #tpu.memory_space<hbm>> -> memref<1x80x128xf32, #tpu.memory_space<hbm>>
      %dma_start3A_51 = tpu.memref_squeeze %dma_start3A_50 : memref<1x80x128xf32, #tpu.memory_space<hbm>> -> memref<80x128xf32, #tpu.memory_space<hbm>>
      tpu.enqueue_dma source(%arg8 : memref<80x128xf32, #tpu.memory_space<vmem>>) target(%dma_start3A_51 : memref<80x128xf32, #tpu.memory_space<hbm>>) target_semaphore(%run_scoped3A : memref<!tpu.dma_semaphore, #tpu.memory_space<semaphore_mem>>)
      %dma_wait3A = arith.constant 0 : i32
      %dma_wait3A_52 = tpu.memref_slice %arg5[%arg0, %add3A_38, %dma_wait3A] : memref<2x10240x128xf32, #tpu.memory_space<hbm>> -> memref<1x80x128xf32, #tpu.memory_space<hbm>>
      %dma_wait3A_53 = tpu.memref_squeeze %dma_wait3A_52 : memref<1x80x128xf32, #tpu.memory_space<hbm>> -> memref<80x128xf32, #tpu.memory_space<hbm>>
      %dma_wait3A_54 = arith.constant 0 : i32
      %dma_wait3A_55 = tpu.memref_slice %arg5[%arg0, %add3A_38, %dma_wait3A_54] : memref<2x10240x128xf32, #tpu.memory_space<hbm>> -> memref<1x80x128xf32, #tpu.memory_space<hbm>>
      %dma_wait3A_56 = tpu.memref_squeeze %dma_wait3A_55 : memref<1x80x128xf32, #tpu.memory_space<hbm>> -> memref<80x128xf32, #tpu.memory_space<hbm>>
      tpu.wait_dma2 semaphore(%run_scoped3A : memref<!tpu.dma_semaphore, #tpu.memory_space<semaphore_mem>>) src(%arg8 : memref<80x128xf32, #tpu.memory_space<vmem>>) dst(%dma_wait3A_56 : memref<80x128xf32, #tpu.memory_space<hbm>>)
      tpu.yield
    }) : () -> ()
    %add3A_39 = arith.constant 320 : i32
    %add3A_40 = arith.addi %mul3A_4, %add3A_39 : i32
    "tpu.region"() ({
      %run_scoped3A = tpu.sem_alloc : memref<!tpu.dma_semaphore, #tpu.memory_space<semaphore_mem>>
      %dma_start3A = arith.constant 0 : i32
      %dma_start3A_47 = tpu.memref_slice %arg10[%add3A_40, %dma_start3A] : memref<10240x128xf32, #tpu.memory_space<vmem_shared>> -> memref<80x128xf32, #tpu.memory_space<vmem_shared>>
      %dma_start3A_48 = arith.constant 0 : i32
      %dma_start3A_49 = tpu.memref_slice %arg10[%add3A_40, %dma_start3A_48] : memref<10240x128xf32, #tpu.memory_space<vmem_shared>> -> memref<80x128xf32, #tpu.memory_space<vmem_shared>>
      tpu.enqueue_dma source(%dma_start3A_49 : memref<80x128xf32, #tpu.memory_space<vmem_shared>>) target(%arg8 : memref<80x128xf32, #tpu.memory_space<vmem>>) target_semaphore(%run_scoped3A : memref<!tpu.dma_semaphore, #tpu.memory_space<semaphore_mem>>)
      %dma_wait3A = arith.constant 0 : i32
      %dma_wait3A_50 = tpu.memref_slice %arg10[%add3A_40, %dma_wait3A] : memref<10240x128xf32, #tpu.memory_space<vmem_shared>> -> memref<80x128xf32, #tpu.memory_space<vmem_shared>>
      %dma_wait3A_51 = arith.constant 0 : i32
      %dma_wait3A_52 = tpu.memref_slice %arg10[%add3A_40, %dma_wait3A_51] : memref<10240x128xf32, #tpu.memory_space<vmem_shared>> -> memref<80x128xf32, #tpu.memory_space<vmem_shared>>
      tpu.wait_dma2 semaphore(%run_scoped3A : memref<!tpu.dma_semaphore, #tpu.memory_space<semaphore_mem>>) src(%dma_wait3A_52 : memref<80x128xf32, #tpu.memory_space<vmem_shared>>) dst(%arg8 : memref<80x128xf32, #tpu.memory_space<vmem>>)
      tpu.yield
    }) : () -> ()
    "tpu.region"() ({
      %run_scoped3A = tpu.sem_alloc : memref<!tpu.dma_semaphore, #tpu.memory_space<semaphore_mem>>
      %dma_start3A = arith.constant 0 : i32
      %dma_start3A_47 = tpu.memref_slice %arg5[%arg0, %add3A_40, %dma_start3A] : memref<2x10240x128xf32, #tpu.memory_space<hbm>> -> memref<1x80x128xf32, #tpu.memory_space<hbm>>
      %dma_start3A_48 = tpu.memref_squeeze %dma_start3A_47 : memref<1x80x128xf32, #tpu.memory_space<hbm>> -> memref<80x128xf32, #tpu.memory_space<hbm>>
      %dma_start3A_49 = arith.constant 0 : i32
      %dma_start3A_50 = tpu.memref_slice %arg5[%arg0, %add3A_40, %dma_start3A_49] : memref<2x10240x128xf32, #tpu.memory_space<hbm>> -> memref<1x80x128xf32, #tpu.memory_space<hbm>>
      %dma_start3A_51 = tpu.memref_squeeze %dma_start3A_50 : memref<1x80x128xf32, #tpu.memory_space<hbm>> -> memref<80x128xf32, #tpu.memory_space<hbm>>
      tpu.enqueue_dma source(%arg8 : memref<80x128xf32, #tpu.memory_space<vmem>>) target(%dma_start3A_51 : memref<80x128xf32, #tpu.memory_space<hbm>>) target_semaphore(%run_scoped3A : memref<!tpu.dma_semaphore, #tpu.memory_space<semaphore_mem>>)
      %dma_wait3A = arith.constant 0 : i32
      %dma_wait3A_52 = tpu.memref_slice %arg5[%arg0, %add3A_40, %dma_wait3A] : memref<2x10240x128xf32, #tpu.memory_space<hbm>> -> memref<1x80x128xf32, #tpu.memory_space<hbm>>
      %dma_wait3A_53 = tpu.memref_squeeze %dma_wait3A_52 : memref<1x80x128xf32, #tpu.memory_space<hbm>> -> memref<80x128xf32, #tpu.memory_space<hbm>>
      %dma_wait3A_54 = arith.constant 0 : i32
      %dma_wait3A_55 = tpu.memref_slice %arg5[%arg0, %add3A_40, %dma_wait3A_54] : memref<2x10240x128xf32, #tpu.memory_space<hbm>> -> memref<1x80x128xf32, #tpu.memory_space<hbm>>
      %dma_wait3A_56 = tpu.memref_squeeze %dma_wait3A_55 : memref<1x80x128xf32, #tpu.memory_space<hbm>> -> memref<80x128xf32, #tpu.memory_space<hbm>>
      tpu.wait_dma2 semaphore(%run_scoped3A : memref<!tpu.dma_semaphore, #tpu.memory_space<semaphore_mem>>) src(%arg8 : memref<80x128xf32, #tpu.memory_space<vmem>>) dst(%dma_wait3A_56 : memref<80x128xf32, #tpu.memory_space<hbm>>)
      tpu.yield
    }) : () -> ()
    %add3A_41 = arith.constant 400 : i32
    %add3A_42 = arith.addi %mul3A_4, %add3A_41 : i32
    "tpu.region"() ({
      %run_scoped3A = tpu.sem_alloc : memref<!tpu.dma_semaphore, #tpu.memory_space<semaphore_mem>>
      %dma_start3A = arith.constant 0 : i32
      %dma_start3A_47 = tpu.memref_slice %arg10[%add3A_42, %dma_start3A] : memref<10240x128xf32, #tpu.memory_space<vmem_shared>> -> memref<80x128xf32, #tpu.memory_space<vmem_shared>>
      %dma_start3A_48 = arith.constant 0 : i32
      %dma_start3A_49 = tpu.memref_slice %arg10[%add3A_42, %dma_start3A_48] : memref<10240x128xf32, #tpu.memory_space<vmem_shared>> -> memref<80x128xf32, #tpu.memory_space<vmem_shared>>
      tpu.enqueue_dma source(%dma_start3A_49 : memref<80x128xf32, #tpu.memory_space<vmem_shared>>) target(%arg8 : memref<80x128xf32, #tpu.memory_space<vmem>>) target_semaphore(%run_scoped3A : memref<!tpu.dma_semaphore, #tpu.memory_space<semaphore_mem>>)
      %dma_wait3A = arith.constant 0 : i32
      %dma_wait3A_50 = tpu.memref_slice %arg10[%add3A_42, %dma_wait3A] : memref<10240x128xf32, #tpu.memory_space<vmem_shared>> -> memref<80x128xf32, #tpu.memory_space<vmem_shared>>
      %dma_wait3A_51 = arith.constant 0 : i32
      %dma_wait3A_52 = tpu.memref_slice %arg10[%add3A_42, %dma_wait3A_51] : memref<10240x128xf32, #tpu.memory_space<vmem_shared>> -> memref<80x128xf32, #tpu.memory_space<vmem_shared>>
      tpu.wait_dma2 semaphore(%run_scoped3A : memref<!tpu.dma_semaphore, #tpu.memory_space<semaphore_mem>>) src(%dma_wait3A_52 : memref<80x128xf32, #tpu.memory_space<vmem_shared>>) dst(%arg8 : memref<80x128xf32, #tpu.memory_space<vmem>>)
      tpu.yield
    }) : () -> ()
    "tpu.region"() ({
      %run_scoped3A = tpu.sem_alloc : memref<!tpu.dma_semaphore, #tpu.memory_space<semaphore_mem>>
      %dma_start3A = arith.constant 0 : i32
      %dma_start3A_47 = tpu.memref_slice %arg5[%arg0, %add3A_42, %dma_start3A] : memref<2x10240x128xf32, #tpu.memory_space<hbm>> -> memref<1x80x128xf32, #tpu.memory_space<hbm>>
      %dma_start3A_48 = tpu.memref_squeeze %dma_start3A_47 : memref<1x80x128xf32, #tpu.memory_space<hbm>> -> memref<80x128xf32, #tpu.memory_space<hbm>>
      %dma_start3A_49 = arith.constant 0 : i32
      %dma_start3A_50 = tpu.memref_slice %arg5[%arg0, %add3A_42, %dma_start3A_49] : memref<2x10240x128xf32, #tpu.memory_space<hbm>> -> memref<1x80x128xf32, #tpu.memory_space<hbm>>
      %dma_start3A_51 = tpu.memref_squeeze %dma_start3A_50 : memref<1x80x128xf32, #tpu.memory_space<hbm>> -> memref<80x128xf32, #tpu.memory_space<hbm>>
      tpu.enqueue_dma source(%arg8 : memref<80x128xf32, #tpu.memory_space<vmem>>) target(%dma_start3A_51 : memref<80x128xf32, #tpu.memory_space<hbm>>) target_semaphore(%run_scoped3A : memref<!tpu.dma_semaphore, #tpu.memory_space<semaphore_mem>>)
      %dma_wait3A = arith.constant 0 : i32
      %dma_wait3A_52 = tpu.memref_slice %arg5[%arg0, %add3A_42, %dma_wait3A] : memref<2x10240x128xf32, #tpu.memory_space<hbm>> -> memref<1x80x128xf32, #tpu.memory_space<hbm>>
      %dma_wait3A_53 = tpu.memref_squeeze %dma_wait3A_52 : memref<1x80x128xf32, #tpu.memory_space<hbm>> -> memref<80x128xf32, #tpu.memory_space<hbm>>
      %dma_wait3A_54 = arith.constant 0 : i32
      %dma_wait3A_55 = tpu.memref_slice %arg5[%arg0, %add3A_42, %dma_wait3A_54] : memref<2x10240x128xf32, #tpu.memory_space<hbm>> -> memref<1x80x128xf32, #tpu.memory_space<hbm>>
      %dma_wait3A_56 = tpu.memref_squeeze %dma_wait3A_55 : memref<1x80x128xf32, #tpu.memory_space<hbm>> -> memref<80x128xf32, #tpu.memory_space<hbm>>
      tpu.wait_dma2 semaphore(%run_scoped3A : memref<!tpu.dma_semaphore, #tpu.memory_space<semaphore_mem>>) src(%arg8 : memref<80x128xf32, #tpu.memory_space<vmem>>) dst(%dma_wait3A_56 : memref<80x128xf32, #tpu.memory_space<hbm>>)
      tpu.yield
    }) : () -> ()
    %add3A_43 = arith.constant 480 : i32
    %add3A_44 = arith.addi %mul3A_4, %add3A_43 : i32
    "tpu.region"() ({
      %run_scoped3A = tpu.sem_alloc : memref<!tpu.dma_semaphore, #tpu.memory_space<semaphore_mem>>
      %dma_start3A = arith.constant 0 : i32
      %dma_start3A_47 = tpu.memref_slice %arg10[%add3A_44, %dma_start3A] : memref<10240x128xf32, #tpu.memory_space<vmem_shared>> -> memref<80x128xf32, #tpu.memory_space<vmem_shared>>
      %dma_start3A_48 = arith.constant 0 : i32
      %dma_start3A_49 = tpu.memref_slice %arg10[%add3A_44, %dma_start3A_48] : memref<10240x128xf32, #tpu.memory_space<vmem_shared>> -> memref<80x128xf32, #tpu.memory_space<vmem_shared>>
      tpu.enqueue_dma source(%dma_start3A_49 : memref<80x128xf32, #tpu.memory_space<vmem_shared>>) target(%arg8 : memref<80x128xf32, #tpu.memory_space<vmem>>) target_semaphore(%run_scoped3A : memref<!tpu.dma_semaphore, #tpu.memory_space<semaphore_mem>>)
      %dma_wait3A = arith.constant 0 : i32
      %dma_wait3A_50 = tpu.memref_slice %arg10[%add3A_44, %dma_wait3A] : memref<10240x128xf32, #tpu.memory_space<vmem_shared>> -> memref<80x128xf32, #tpu.memory_space<vmem_shared>>
      %dma_wait3A_51 = arith.constant 0 : i32
      %dma_wait3A_52 = tpu.memref_slice %arg10[%add3A_44, %dma_wait3A_51] : memref<10240x128xf32, #tpu.memory_space<vmem_shared>> -> memref<80x128xf32, #tpu.memory_space<vmem_shared>>
      tpu.wait_dma2 semaphore(%run_scoped3A : memref<!tpu.dma_semaphore, #tpu.memory_space<semaphore_mem>>) src(%dma_wait3A_52 : memref<80x128xf32, #tpu.memory_space<vmem_shared>>) dst(%arg8 : memref<80x128xf32, #tpu.memory_space<vmem>>)
      tpu.yield
    }) : () -> ()
    "tpu.region"() ({
      %run_scoped3A = tpu.sem_alloc : memref<!tpu.dma_semaphore, #tpu.memory_space<semaphore_mem>>
      %dma_start3A = arith.constant 0 : i32
      %dma_start3A_47 = tpu.memref_slice %arg5[%arg0, %add3A_44, %dma_start3A] : memref<2x10240x128xf32, #tpu.memory_space<hbm>> -> memref<1x80x128xf32, #tpu.memory_space<hbm>>
      %dma_start3A_48 = tpu.memref_squeeze %dma_start3A_47 : memref<1x80x128xf32, #tpu.memory_space<hbm>> -> memref<80x128xf32, #tpu.memory_space<hbm>>
      %dma_start3A_49 = arith.constant 0 : i32
      %dma_start3A_50 = tpu.memref_slice %arg5[%arg0, %add3A_44, %dma_start3A_49] : memref<2x10240x128xf32, #tpu.memory_space<hbm>> -> memref<1x80x128xf32, #tpu.memory_space<hbm>>
      %dma_start3A_51 = tpu.memref_squeeze %dma_start3A_50 : memref<1x80x128xf32, #tpu.memory_space<hbm>> -> memref<80x128xf32, #tpu.memory_space<hbm>>
      tpu.enqueue_dma source(%arg8 : memref<80x128xf32, #tpu.memory_space<vmem>>) target(%dma_start3A_51 : memref<80x128xf32, #tpu.memory_space<hbm>>) target_semaphore(%run_scoped3A : memref<!tpu.dma_semaphore, #tpu.memory_space<semaphore_mem>>)
      %dma_wait3A = arith.constant 0 : i32
      %dma_wait3A_52 = tpu.memref_slice %arg5[%arg0, %add3A_44, %dma_wait3A] : memref<2x10240x128xf32, #tpu.memory_space<hbm>> -> memref<1x80x128xf32, #tpu.memory_space<hbm>>
      %dma_wait3A_53 = tpu.memref_squeeze %dma_wait3A_52 : memref<1x80x128xf32, #tpu.memory_space<hbm>> -> memref<80x128xf32, #tpu.memory_space<hbm>>
      %dma_wait3A_54 = arith.constant 0 : i32
      %dma_wait3A_55 = tpu.memref_slice %arg5[%arg0, %add3A_44, %dma_wait3A_54] : memref<2x10240x128xf32, #tpu.memory_space<hbm>> -> memref<1x80x128xf32, #tpu.memory_space<hbm>>
      %dma_wait3A_56 = tpu.memref_squeeze %dma_wait3A_55 : memref<1x80x128xf32, #tpu.memory_space<hbm>> -> memref<80x128xf32, #tpu.memory_space<hbm>>
      tpu.wait_dma2 semaphore(%run_scoped3A : memref<!tpu.dma_semaphore, #tpu.memory_space<semaphore_mem>>) src(%arg8 : memref<80x128xf32, #tpu.memory_space<vmem>>) dst(%dma_wait3A_56 : memref<80x128xf32, #tpu.memory_space<hbm>>)
      tpu.yield
    }) : () -> ()
    %add3A_45 = arith.constant 560 : i32
    %add3A_46 = arith.addi %mul3A_4, %add3A_45 : i32
    "tpu.region"() ({
      %run_scoped3A = tpu.sem_alloc : memref<!tpu.dma_semaphore, #tpu.memory_space<semaphore_mem>>
      %dma_start3A = arith.constant 0 : i32
      %dma_start3A_47 = tpu.memref_slice %arg10[%add3A_46, %dma_start3A] : memref<10240x128xf32, #tpu.memory_space<vmem_shared>> -> memref<80x128xf32, #tpu.memory_space<vmem_shared>>
      %dma_start3A_48 = arith.constant 0 : i32
      %dma_start3A_49 = tpu.memref_slice %arg10[%add3A_46, %dma_start3A_48] : memref<10240x128xf32, #tpu.memory_space<vmem_shared>> -> memref<80x128xf32, #tpu.memory_space<vmem_shared>>
      tpu.enqueue_dma source(%dma_start3A_49 : memref<80x128xf32, #tpu.memory_space<vmem_shared>>) target(%arg8 : memref<80x128xf32, #tpu.memory_space<vmem>>) target_semaphore(%run_scoped3A : memref<!tpu.dma_semaphore, #tpu.memory_space<semaphore_mem>>)
      %dma_wait3A = arith.constant 0 : i32
      %dma_wait3A_50 = tpu.memref_slice %arg10[%add3A_46, %dma_wait3A] : memref<10240x128xf32, #tpu.memory_space<vmem_shared>> -> memref<80x128xf32, #tpu.memory_space<vmem_shared>>
      %dma_wait3A_51 = arith.constant 0 : i32
      %dma_wait3A_52 = tpu.memref_slice %arg10[%add3A_46, %dma_wait3A_51] : memref<10240x128xf32, #tpu.memory_space<vmem_shared>> -> memref<80x128xf32, #tpu.memory_space<vmem_shared>>
      tpu.wait_dma2 semaphore(%run_scoped3A : memref<!tpu.dma_semaphore, #tpu.memory_space<semaphore_mem>>) src(%dma_wait3A_52 : memref<80x128xf32, #tpu.memory_space<vmem_shared>>) dst(%arg8 : memref<80x128xf32, #tpu.memory_space<vmem>>)
      tpu.yield
    }) : () -> ()
    "tpu.region"() ({
      %run_scoped3A = tpu.sem_alloc : memref<!tpu.dma_semaphore, #tpu.memory_space<semaphore_mem>>
      %dma_start3A = arith.constant 0 : i32
      %dma_start3A_47 = tpu.memref_slice %arg5[%arg0, %add3A_46, %dma_start3A] : memref<2x10240x128xf32, #tpu.memory_space<hbm>> -> memref<1x80x128xf32, #tpu.memory_space<hbm>>
      %dma_start3A_48 = tpu.memref_squeeze %dma_start3A_47 : memref<1x80x128xf32, #tpu.memory_space<hbm>> -> memref<80x128xf32, #tpu.memory_space<hbm>>
      %dma_start3A_49 = arith.constant 0 : i32
      %dma_start3A_50 = tpu.memref_slice %arg5[%arg0, %add3A_46, %dma_start3A_49] : memref<2x10240x128xf32, #tpu.memory_space<hbm>> -> memref<1x80x128xf32, #tpu.memory_space<hbm>>
      %dma_start3A_51 = tpu.memref_squeeze %dma_start3A_50 : memref<1x80x128xf32, #tpu.memory_space<hbm>> -> memref<80x128xf32, #tpu.memory_space<hbm>>
      tpu.enqueue_dma source(%arg8 : memref<80x128xf32, #tpu.memory_space<vmem>>) target(%dma_start3A_51 : memref<80x128xf32, #tpu.memory_space<hbm>>) target_semaphore(%run_scoped3A : memref<!tpu.dma_semaphore, #tpu.memory_space<semaphore_mem>>)
      %dma_wait3A = arith.constant 0 : i32
      %dma_wait3A_52 = tpu.memref_slice %arg5[%arg0, %add3A_46, %dma_wait3A] : memref<2x10240x128xf32, #tpu.memory_space<hbm>> -> memref<1x80x128xf32, #tpu.memory_space<hbm>>
      %dma_wait3A_53 = tpu.memref_squeeze %dma_wait3A_52 : memref<1x80x128xf32, #tpu.memory_space<hbm>> -> memref<80x128xf32, #tpu.memory_space<hbm>>
      %dma_wait3A_54 = arith.constant 0 : i32
      %dma_wait3A_55 = tpu.memref_slice %arg5[%arg0, %add3A_46, %dma_wait3A_54] : memref<2x10240x128xf32, #tpu.memory_space<hbm>> -> memref<1x80x128xf32, #tpu.memory_space<hbm>>
      %dma_wait3A_56 = tpu.memref_squeeze %dma_wait3A_55 : memref<1x80x128xf32, #tpu.memory_space<hbm>> -> memref<80x128xf32, #tpu.memory_space<hbm>>
      tpu.wait_dma2 semaphore(%run_scoped3A : memref<!tpu.dma_semaphore, #tpu.memory_space<semaphore_mem>>) src(%arg8 : memref<80x128xf32, #tpu.memory_space<vmem>>) dst(%dma_wait3A_56 : memref<80x128xf32, #tpu.memory_space<hbm>>)
      tpu.yield
    }) : () -> ()
    return
  }
}

#map = affine_map<(d0, d1) -> (0, 0)>
#map1 = affine_map<(d0, d1) -> (0)>
module attributes {stable_mosaic.version = 14 : i64} {
  func.func @_sc_gather(%arg0: i32, %arg1: i32, %arg2: memref<20000x128xf32, #tpu.memory_space<hbm>>, %arg3: memref<640000xi32, #tpu.memory_space<hbm>>, %arg4: memref<640000x128xf32, #tpu.memory_space<hbm>>, %arg5: memref<4000xi32, #tpu.memory_space<vmem>>, %arg6: memref<400x128xf32, #tpu.memory_space<vmem>>, %arg7: memref<400x128xf32, #tpu.memory_space<vmem>>, %arg8: memref<!tpu.dma_semaphore, #tpu.memory_space<semaphore_mem>>, %arg9: memref<!tpu.dma_semaphore, #tpu.memory_space<semaphore_mem>>) attributes {dimension_semantics = [#tpu.dimension_semantics<core_parallel>, #tpu.dimension_semantics<subcore_parallel>], iteration_bounds = array<i64: 2, 16>, scalar_prefetch = 0 : i64, scratch_operands = 5 : i64, tpu.core_type = #tpu.core_type<sc_vector_subcore>, window_params = [{transform_indices = #map}, {transform_indices = #map1}, {transform_indices = #map}]} {
    %mul3A = arith.constant 2 : i32
    %mul3A_0 = arith.muli %arg1, %mul3A : i32
    %add3A = arith.addi %mul3A_0, %arg0 : i32
    %mul3A_1 = arith.constant 2 : i32
    %mul3A_2 = arith.muli %mul3A_1, %add3A : i32
    %mul3A_3 = arith.constant 10000 : i32
    %mul3A_4 = arith.muli %mul3A_2, %mul3A_3 : i32
    %scan3A = arith.constant 0 : i32
    %scan3A_5 = arith.constant 0 : i32
    %scan3A_6 = arith.constant 5 : i32
    %scan3A_7 = arith.addi %scan3A_5, %scan3A_6 : i32
    %scan3A_8 = arith.constant 1 : i32
    scf.for %scan3A_10 = %scan3A_5 to %scan3A_7 step %scan3A_8  : i32 {
      %mul3A_11 = arith.constant 50 : i32
      %mul3A_12 = arith.muli %scan3A_10, %mul3A_11 : i32
      %mul3A_13 = arith.constant 2 : i32
      %mul3A_14 = arith.muli %mul3A_12, %mul3A_13 : i32
      %mul3A_15 = arith.constant 40 : i32
      %mul3A_16 = arith.muli %mul3A_14, %mul3A_15 : i32
      %add3A_17 = arith.addi %mul3A_4, %mul3A_16 : i32
      "tpu.region"() ({
        %run_scoped3A = tpu.sem_alloc : memref<!tpu.dma_semaphore, #tpu.memory_space<semaphore_mem>>
        %dma_start3A = tpu.memref_slice %arg3[%add3A_17] : memref<640000xi32, #tpu.memory_space<hbm>> -> memref<4000xi32, #tpu.memory_space<hbm>>
        %dma_start3A_24 = tpu.memref_slice %arg3[%add3A_17] : memref<640000xi32, #tpu.memory_space<hbm>> -> memref<4000xi32, #tpu.memory_space<hbm>>
        tpu.enqueue_dma source(%dma_start3A_24 : memref<4000xi32, #tpu.memory_space<hbm>>) target(%arg5 : memref<4000xi32, #tpu.memory_space<vmem>>) target_semaphore(%run_scoped3A : memref<!tpu.dma_semaphore, #tpu.memory_space<semaphore_mem>>)
        %dma_wait3A = tpu.memref_slice %arg3[%add3A_17] : memref<640000xi32, #tpu.memory_space<hbm>> -> memref<4000xi32, #tpu.memory_space<hbm>>
        %dma_wait3A_25 = tpu.memref_slice %arg3[%add3A_17] : memref<640000xi32, #tpu.memory_space<hbm>> -> memref<4000xi32, #tpu.memory_space<hbm>>
        tpu.wait_dma2 semaphore(%run_scoped3A : memref<!tpu.dma_semaphore, #tpu.memory_space<semaphore_mem>>) src(%dma_wait3A_25 : memref<4000xi32, #tpu.memory_space<hbm>>) dst(%arg5 : memref<4000xi32, #tpu.memory_space<vmem>>)
        tpu.yield
      }) : () -> ()
      %scan3A_18 = arith.constant 0 : i32
      %scan3A_19 = arith.constant 0 : i32
      %scan3A_20 = arith.constant 5 : i32
      %scan3A_21 = arith.addi %scan3A_19, %scan3A_20 : i32
      %scan3A_22 = arith.constant 1 : i32
      scf.for %scan3A_24 = %scan3A_19 to %scan3A_21 step %scan3A_22  : i32 {
        %mul3A_25 = arith.constant 2 : i32
        %mul3A_26 = arith.muli %mul3A_25, %scan3A_24 : i32
        %add3A_27 = arith.constant 0 : i32
        %add3A_28 = arith.addi %mul3A_26, %add3A_27 : i32
        %mul3A_29 = arith.constant 5 : i32
        %mul3A_30 = arith.muli %add3A_28, %mul3A_29 : i32
        %add3A_31 = arith.constant 0 : i32
        %add3A_32 = arith.addi %mul3A_30, %add3A_31 : i32
        %mul3A_33 = arith.constant 2 : i32
        %mul3A_34 = arith.muli %add3A_32, %mul3A_33 : i32
        %mul3A_35 = arith.constant 40 : i32
        %mul3A_36 = arith.muli %mul3A_34, %mul3A_35 : i32
        %dma_start3A = arith.constant 0 : i32
        %dma_start3A_37 = arith.constant 0 : i32
        %dma_start3A_38 = tpu.memref_slice %arg6[%dma_start3A, %dma_start3A_37] : memref<400x128xf32, #tpu.memory_space<vmem>> -> memref<80x128xf32, #tpu.memory_space<vmem>>
        %dma_start3A_39 = tpu.memref_slice %arg5[%mul3A_36] : memref<4000xi32, #tpu.memory_space<vmem>> -> memref<80xi32, #tpu.memory_space<vmem>>
        %dma_start3A_40 = arith.constant 0 : i32
        %dma_start3A_41 = arith.constant 0 : i32
        %dma_start3A_42 = tpu.memref_slice %arg2[%dma_start3A_40, %dma_start3A_41] : memref<20000x128xf32, #tpu.memory_space<hbm>> -> memref<20000x128xf32, #tpu.memory_space<hbm>>
        tpu.enqueue_indirect_dma source(%dma_start3A_42 : memref<20000x128xf32, #tpu.memory_space<hbm>>) target(%dma_start3A_38 : memref<80x128xf32, #tpu.memory_space<vmem>>) offsets(%dma_start3A_39 : memref<80xi32, #tpu.memory_space<vmem>>) semaphore(%arg8 : memref<!tpu.dma_semaphore, #tpu.memory_space<semaphore_mem>>)
        %mul3A_43 = arith.constant 2 : i32
        %mul3A_44 = arith.muli %mul3A_43, %scan3A_24 : i32
        %add3A_45 = arith.constant 0 : i32
        %add3A_46 = arith.addi %mul3A_44, %add3A_45 : i32
        %mul3A_47 = arith.constant 5 : i32
        %mul3A_48 = arith.muli %add3A_46, %mul3A_47 : i32
        %add3A_49 = arith.constant 1 : i32
        %add3A_50 = arith.addi %mul3A_48, %add3A_49 : i32
        %mul3A_51 = arith.constant 2 : i32
        %mul3A_52 = arith.muli %add3A_50, %mul3A_51 : i32
        %mul3A_53 = arith.constant 40 : i32
        %mul3A_54 = arith.muli %mul3A_52, %mul3A_53 : i32
        %dma_start3A_55 = arith.constant 80 : i32
        %dma_start3A_56 = arith.constant 0 : i32
        %dma_start3A_57 = tpu.memref_slice %arg6[%dma_start3A_55, %dma_start3A_56] : memref<400x128xf32, #tpu.memory_space<vmem>> -> memref<80x128xf32, #tpu.memory_space<vmem>>
        %dma_start3A_58 = tpu.memref_slice %arg5[%mul3A_54] : memref<4000xi32, #tpu.memory_space<vmem>> -> memref<80xi32, #tpu.memory_space<vmem>>
        %dma_start3A_59 = arith.constant 0 : i32
        %dma_start3A_60 = arith.constant 0 : i32
        %dma_start3A_61 = tpu.memref_slice %arg2[%dma_start3A_59, %dma_start3A_60] : memref<20000x128xf32, #tpu.memory_space<hbm>> -> memref<20000x128xf32, #tpu.memory_space<hbm>>
        tpu.enqueue_indirect_dma source(%dma_start3A_61 : memref<20000x128xf32, #tpu.memory_space<hbm>>) target(%dma_start3A_57 : memref<80x128xf32, #tpu.memory_space<vmem>>) offsets(%dma_start3A_58 : memref<80xi32, #tpu.memory_space<vmem>>) semaphore(%arg8 : memref<!tpu.dma_semaphore, #tpu.memory_space<semaphore_mem>>)
        %mul3A_62 = arith.constant 2 : i32
        %mul3A_63 = arith.muli %mul3A_62, %scan3A_24 : i32
        %add3A_64 = arith.constant 0 : i32
        %add3A_65 = arith.addi %mul3A_63, %add3A_64 : i32
        %mul3A_66 = arith.constant 5 : i32
        %mul3A_67 = arith.muli %add3A_65, %mul3A_66 : i32
        %add3A_68 = arith.constant 2 : i32
        %add3A_69 = arith.addi %mul3A_67, %add3A_68 : i32
        %mul3A_70 = arith.constant 2 : i32
        %mul3A_71 = arith.muli %add3A_69, %mul3A_70 : i32
        %mul3A_72 = arith.constant 40 : i32
        %mul3A_73 = arith.muli %mul3A_71, %mul3A_72 : i32
        %dma_start3A_74 = arith.constant 160 : i32
        %dma_start3A_75 = arith.constant 0 : i32
        %dma_start3A_76 = tpu.memref_slice %arg6[%dma_start3A_74, %dma_start3A_75] : memref<400x128xf32, #tpu.memory_space<vmem>> -> memref<80x128xf32, #tpu.memory_space<vmem>>
        %dma_start3A_77 = tpu.memref_slice %arg5[%mul3A_73] : memref<4000xi32, #tpu.memory_space<vmem>> -> memref<80xi32, #tpu.memory_space<vmem>>
        %dma_start3A_78 = arith.constant 0 : i32
        %dma_start3A_79 = arith.constant 0 : i32
        %dma_start3A_80 = tpu.memref_slice %arg2[%dma_start3A_78, %dma_start3A_79] : memref<20000x128xf32, #tpu.memory_space<hbm>> -> memref<20000x128xf32, #tpu.memory_space<hbm>>
        tpu.enqueue_indirect_dma source(%dma_start3A_80 : memref<20000x128xf32, #tpu.memory_space<hbm>>) target(%dma_start3A_76 : memref<80x128xf32, #tpu.memory_space<vmem>>) offsets(%dma_start3A_77 : memref<80xi32, #tpu.memory_space<vmem>>) semaphore(%arg8 : memref<!tpu.dma_semaphore, #tpu.memory_space<semaphore_mem>>)
        %mul3A_81 = arith.constant 2 : i32
        %mul3A_82 = arith.muli %mul3A_81, %scan3A_24 : i32
        %add3A_83 = arith.constant 0 : i32
        %add3A_84 = arith.addi %mul3A_82, %add3A_83 : i32
        %mul3A_85 = arith.constant 5 : i32
        %mul3A_86 = arith.muli %add3A_84, %mul3A_85 : i32
        %add3A_87 = arith.constant 3 : i32
        %add3A_88 = arith.addi %mul3A_86, %add3A_87 : i32
        %mul3A_89 = arith.constant 2 : i32
        %mul3A_90 = arith.muli %add3A_88, %mul3A_89 : i32
        %mul3A_91 = arith.constant 40 : i32
        %mul3A_92 = arith.muli %mul3A_90, %mul3A_91 : i32
        %dma_start3A_93 = arith.constant 240 : i32
        %dma_start3A_94 = arith.constant 0 : i32
        %dma_start3A_95 = tpu.memref_slice %arg6[%dma_start3A_93, %dma_start3A_94] : memref<400x128xf32, #tpu.memory_space<vmem>> -> memref<80x128xf32, #tpu.memory_space<vmem>>
        %dma_start3A_96 = tpu.memref_slice %arg5[%mul3A_92] : memref<4000xi32, #tpu.memory_space<vmem>> -> memref<80xi32, #tpu.memory_space<vmem>>
        %dma_start3A_97 = arith.constant 0 : i32
        %dma_start3A_98 = arith.constant 0 : i32
        %dma_start3A_99 = tpu.memref_slice %arg2[%dma_start3A_97, %dma_start3A_98] : memref<20000x128xf32, #tpu.memory_space<hbm>> -> memref<20000x128xf32, #tpu.memory_space<hbm>>
        tpu.enqueue_indirect_dma source(%dma_start3A_99 : memref<20000x128xf32, #tpu.memory_space<hbm>>) target(%dma_start3A_95 : memref<80x128xf32, #tpu.memory_space<vmem>>) offsets(%dma_start3A_96 : memref<80xi32, #tpu.memory_space<vmem>>) semaphore(%arg8 : memref<!tpu.dma_semaphore, #tpu.memory_space<semaphore_mem>>)
        %mul3A_100 = arith.constant 2 : i32
        %mul3A_101 = arith.muli %mul3A_100, %scan3A_24 : i32
        %add3A_102 = arith.constant 0 : i32
        %add3A_103 = arith.addi %mul3A_101, %add3A_102 : i32
        %mul3A_104 = arith.constant 5 : i32
        %mul3A_105 = arith.muli %add3A_103, %mul3A_104 : i32
        %add3A_106 = arith.constant 4 : i32
        %add3A_107 = arith.addi %mul3A_105, %add3A_106 : i32
        %mul3A_108 = arith.constant 2 : i32
        %mul3A_109 = arith.muli %add3A_107, %mul3A_108 : i32
        %mul3A_110 = arith.constant 40 : i32
        %mul3A_111 = arith.muli %mul3A_109, %mul3A_110 : i32
        %dma_start3A_112 = arith.constant 320 : i32
        %dma_start3A_113 = arith.constant 0 : i32
        %dma_start3A_114 = tpu.memref_slice %arg6[%dma_start3A_112, %dma_start3A_113] : memref<400x128xf32, #tpu.memory_space<vmem>> -> memref<80x128xf32, #tpu.memory_space<vmem>>
        %dma_start3A_115 = tpu.memref_slice %arg5[%mul3A_111] : memref<4000xi32, #tpu.memory_space<vmem>> -> memref<80xi32, #tpu.memory_space<vmem>>
        %dma_start3A_116 = arith.constant 0 : i32
        %dma_start3A_117 = arith.constant 0 : i32
        %dma_start3A_118 = tpu.memref_slice %arg2[%dma_start3A_116, %dma_start3A_117] : memref<20000x128xf32, #tpu.memory_space<hbm>> -> memref<20000x128xf32, #tpu.memory_space<hbm>>
        tpu.enqueue_indirect_dma source(%dma_start3A_118 : memref<20000x128xf32, #tpu.memory_space<hbm>>) target(%dma_start3A_114 : memref<80x128xf32, #tpu.memory_space<vmem>>) offsets(%dma_start3A_115 : memref<80xi32, #tpu.memory_space<vmem>>) semaphore(%arg8 : memref<!tpu.dma_semaphore, #tpu.memory_space<semaphore_mem>>)
        %dma_wait3A = arith.constant 0 : i32
        %dma_wait3A_119 = arith.constant 0 : i32
        %dma_wait3A_120 = tpu.memref_slice %arg6[%dma_wait3A, %dma_wait3A_119] : memref<400x128xf32, #tpu.memory_space<vmem>> -> memref<80x128xf32, #tpu.memory_space<vmem>>
        %dma_wait3A_121 = tpu.memref_slice %arg5[%mul3A_36] : memref<4000xi32, #tpu.memory_space<vmem>> -> memref<80xi32, #tpu.memory_space<vmem>>
        %dma_wait3A_122 = arith.constant 0 : i32
        %dma_wait3A_123 = arith.constant 0 : i32
        %dma_wait3A_124 = tpu.memref_slice %arg2[%dma_wait3A_122, %dma_wait3A_123] : memref<20000x128xf32, #tpu.memory_space<hbm>> -> memref<20000x128xf32, #tpu.memory_space<hbm>>
        tpu.wait_indirect_dma semaphore(%arg8 : memref<!tpu.dma_semaphore, #tpu.memory_space<semaphore_mem>>) src(%dma_wait3A_124 : memref<20000x128xf32, #tpu.memory_space<hbm>>) dst(%dma_wait3A_120 : memref<80x128xf32, #tpu.memory_space<vmem>>)
        %dma_wait3A_125 = arith.constant 80 : i32
        %dma_wait3A_126 = arith.constant 0 : i32
        %dma_wait3A_127 = tpu.memref_slice %arg6[%dma_wait3A_125, %dma_wait3A_126] : memref<400x128xf32, #tpu.memory_space<vmem>> -> memref<80x128xf32, #tpu.memory_space<vmem>>
        %dma_wait3A_128 = tpu.memref_slice %arg5[%mul3A_54] : memref<4000xi32, #tpu.memory_space<vmem>> -> memref<80xi32, #tpu.memory_space<vmem>>
        %dma_wait3A_129 = arith.constant 0 : i32
        %dma_wait3A_130 = arith.constant 0 : i32
        %dma_wait3A_131 = tpu.memref_slice %arg2[%dma_wait3A_129, %dma_wait3A_130] : memref<20000x128xf32, #tpu.memory_space<hbm>> -> memref<20000x128xf32, #tpu.memory_space<hbm>>
        tpu.wait_indirect_dma semaphore(%arg8 : memref<!tpu.dma_semaphore, #tpu.memory_space<semaphore_mem>>) src(%dma_wait3A_131 : memref<20000x128xf32, #tpu.memory_space<hbm>>) dst(%dma_wait3A_127 : memref<80x128xf32, #tpu.memory_space<vmem>>)
        %dma_wait3A_132 = arith.constant 160 : i32
        %dma_wait3A_133 = arith.constant 0 : i32
        %dma_wait3A_134 = tpu.memref_slice %arg6[%dma_wait3A_132, %dma_wait3A_133] : memref<400x128xf32, #tpu.memory_space<vmem>> -> memref<80x128xf32, #tpu.memory_space<vmem>>
        %dma_wait3A_135 = tpu.memref_slice %arg5[%mul3A_73] : memref<4000xi32, #tpu.memory_space<vmem>> -> memref<80xi32, #tpu.memory_space<vmem>>
        %dma_wait3A_136 = arith.constant 0 : i32
        %dma_wait3A_137 = arith.constant 0 : i32
        %dma_wait3A_138 = tpu.memref_slice %arg2[%dma_wait3A_136, %dma_wait3A_137] : memref<20000x128xf32, #tpu.memory_space<hbm>> -> memref<20000x128xf32, #tpu.memory_space<hbm>>
        tpu.wait_indirect_dma semaphore(%arg8 : memref<!tpu.dma_semaphore, #tpu.memory_space<semaphore_mem>>) src(%dma_wait3A_138 : memref<20000x128xf32, #tpu.memory_space<hbm>>) dst(%dma_wait3A_134 : memref<80x128xf32, #tpu.memory_space<vmem>>)
        %dma_wait3A_139 = arith.constant 240 : i32
        %dma_wait3A_140 = arith.constant 0 : i32
        %dma_wait3A_141 = tpu.memref_slice %arg6[%dma_wait3A_139, %dma_wait3A_140] : memref<400x128xf32, #tpu.memory_space<vmem>> -> memref<80x128xf32, #tpu.memory_space<vmem>>
        %dma_wait3A_142 = tpu.memref_slice %arg5[%mul3A_92] : memref<4000xi32, #tpu.memory_space<vmem>> -> memref<80xi32, #tpu.memory_space<vmem>>
        %dma_wait3A_143 = arith.constant 0 : i32
        %dma_wait3A_144 = arith.constant 0 : i32
        %dma_wait3A_145 = tpu.memref_slice %arg2[%dma_wait3A_143, %dma_wait3A_144] : memref<20000x128xf32, #tpu.memory_space<hbm>> -> memref<20000x128xf32, #tpu.memory_space<hbm>>
        tpu.wait_indirect_dma semaphore(%arg8 : memref<!tpu.dma_semaphore, #tpu.memory_space<semaphore_mem>>) src(%dma_wait3A_145 : memref<20000x128xf32, #tpu.memory_space<hbm>>) dst(%dma_wait3A_141 : memref<80x128xf32, #tpu.memory_space<vmem>>)
        %dma_wait3A_146 = arith.constant 320 : i32
        %dma_wait3A_147 = arith.constant 0 : i32
        %dma_wait3A_148 = tpu.memref_slice %arg6[%dma_wait3A_146, %dma_wait3A_147] : memref<400x128xf32, #tpu.memory_space<vmem>> -> memref<80x128xf32, #tpu.memory_space<vmem>>
        %dma_wait3A_149 = tpu.memref_slice %arg5[%mul3A_111] : memref<4000xi32, #tpu.memory_space<vmem>> -> memref<80xi32, #tpu.memory_space<vmem>>
        %dma_wait3A_150 = arith.constant 0 : i32
        %dma_wait3A_151 = arith.constant 0 : i32
        %dma_wait3A_152 = tpu.memref_slice %arg2[%dma_wait3A_150, %dma_wait3A_151] : memref<20000x128xf32, #tpu.memory_space<hbm>> -> memref<20000x128xf32, #tpu.memory_space<hbm>>
        tpu.wait_indirect_dma semaphore(%arg8 : memref<!tpu.dma_semaphore, #tpu.memory_space<semaphore_mem>>) src(%dma_wait3A_152 : memref<20000x128xf32, #tpu.memory_space<hbm>>) dst(%dma_wait3A_148 : memref<80x128xf32, #tpu.memory_space<vmem>>)
        %mul3A_153 = arith.constant 50 : i32
        %mul3A_154 = arith.muli %scan3A_10, %mul3A_153 : i32
        %mul3A_155 = arith.constant 2 : i32
        %mul3A_156 = arith.muli %mul3A_154, %mul3A_155 : i32
        %mul3A_157 = arith.constant 40 : i32
        %mul3A_158 = arith.muli %mul3A_156, %mul3A_157 : i32
        %add3A_159 = arith.addi %mul3A_4, %mul3A_158 : i32
        %mul3A_160 = arith.constant 2 : i32
        %mul3A_161 = arith.muli %mul3A_160, %scan3A_24 : i32
        %add3A_162 = arith.constant 0 : i32
        %add3A_163 = arith.addi %mul3A_161, %add3A_162 : i32
        %mul3A_164 = arith.constant 400 : i32
        %mul3A_165 = arith.muli %add3A_163, %mul3A_164 : i32
        %add3A_166 = arith.addi %add3A_159, %mul3A_165 : i32
        %dma_start3A_167 = arith.constant 0 : i32
        %dma_start3A_168 = tpu.memref_slice %arg4[%add3A_166, %dma_start3A_167] : memref<640000x128xf32, #tpu.memory_space<hbm>> -> memref<400x128xf32, #tpu.memory_space<hbm>>
        %dma_start3A_169 = arith.constant 0 : i32
        %dma_start3A_170 = tpu.memref_slice %arg4[%add3A_166, %dma_start3A_169] : memref<640000x128xf32, #tpu.memory_space<hbm>> -> memref<400x128xf32, #tpu.memory_space<hbm>>
        tpu.enqueue_dma source(%arg6 : memref<400x128xf32, #tpu.memory_space<vmem>>) target(%dma_start3A_170 : memref<400x128xf32, #tpu.memory_space<hbm>>) target_semaphore(%arg9 : memref<!tpu.dma_semaphore, #tpu.memory_space<semaphore_mem>>)
        %dma_wait3A_171 = arith.constant 0 : i32
        %dma_wait3A_172 = tpu.memref_slice %arg4[%add3A_166, %dma_wait3A_171] : memref<640000x128xf32, #tpu.memory_space<hbm>> -> memref<400x128xf32, #tpu.memory_space<hbm>>
        %dma_wait3A_173 = arith.constant 0 : i32
        %dma_wait3A_174 = tpu.memref_slice %arg4[%add3A_166, %dma_wait3A_173] : memref<640000x128xf32, #tpu.memory_space<hbm>> -> memref<400x128xf32, #tpu.memory_space<hbm>>
        tpu.wait_dma2 semaphore(%arg9 : memref<!tpu.dma_semaphore, #tpu.memory_space<semaphore_mem>>) src(%arg6 : memref<400x128xf32, #tpu.memory_space<vmem>>) dst(%dma_wait3A_174 : memref<400x128xf32, #tpu.memory_space<hbm>>)
        %mul3A_175 = arith.constant 2 : i32
        %mul3A_176 = arith.muli %mul3A_175, %scan3A_24 : i32
        %add3A_177 = arith.constant 1 : i32
        %add3A_178 = arith.addi %mul3A_176, %add3A_177 : i32
        %mul3A_179 = arith.constant 5 : i32
        %mul3A_180 = arith.muli %add3A_178, %mul3A_179 : i32
        %add3A_181 = arith.constant 0 : i32
        %add3A_182 = arith.addi %mul3A_180, %add3A_181 : i32
        %mul3A_183 = arith.constant 2 : i32
        %mul3A_184 = arith.muli %add3A_182, %mul3A_183 : i32
        %mul3A_185 = arith.constant 40 : i32
        %mul3A_186 = arith.muli %mul3A_184, %mul3A_185 : i32
        %dma_start3A_187 = arith.constant 0 : i32
        %dma_start3A_188 = arith.constant 0 : i32
        %dma_start3A_189 = tpu.memref_slice %arg7[%dma_start3A_187, %dma_start3A_188] : memref<400x128xf32, #tpu.memory_space<vmem>> -> memref<80x128xf32, #tpu.memory_space<vmem>>
        %dma_start3A_190 = tpu.memref_slice %arg5[%mul3A_186] : memref<4000xi32, #tpu.memory_space<vmem>> -> memref<80xi32, #tpu.memory_space<vmem>>
        %dma_start3A_191 = arith.constant 0 : i32
        %dma_start3A_192 = arith.constant 0 : i32
        %dma_start3A_193 = tpu.memref_slice %arg2[%dma_start3A_191, %dma_start3A_192] : memref<20000x128xf32, #tpu.memory_space<hbm>> -> memref<20000x128xf32, #tpu.memory_space<hbm>>
        tpu.enqueue_indirect_dma source(%dma_start3A_193 : memref<20000x128xf32, #tpu.memory_space<hbm>>) target(%dma_start3A_189 : memref<80x128xf32, #tpu.memory_space<vmem>>) offsets(%dma_start3A_190 : memref<80xi32, #tpu.memory_space<vmem>>) semaphore(%arg8 : memref<!tpu.dma_semaphore, #tpu.memory_space<semaphore_mem>>)
        %mul3A_194 = arith.constant 2 : i32
        %mul3A_195 = arith.muli %mul3A_194, %scan3A_24 : i32
        %add3A_196 = arith.constant 1 : i32
        %add3A_197 = arith.addi %mul3A_195, %add3A_196 : i32
        %mul3A_198 = arith.constant 5 : i32
        %mul3A_199 = arith.muli %add3A_197, %mul3A_198 : i32
        %add3A_200 = arith.constant 1 : i32
        %add3A_201 = arith.addi %mul3A_199, %add3A_200 : i32
        %mul3A_202 = arith.constant 2 : i32
        %mul3A_203 = arith.muli %add3A_201, %mul3A_202 : i32
        %mul3A_204 = arith.constant 40 : i32
        %mul3A_205 = arith.muli %mul3A_203, %mul3A_204 : i32
        %dma_start3A_206 = arith.constant 80 : i32
        %dma_start3A_207 = arith.constant 0 : i32
        %dma_start3A_208 = tpu.memref_slice %arg7[%dma_start3A_206, %dma_start3A_207] : memref<400x128xf32, #tpu.memory_space<vmem>> -> memref<80x128xf32, #tpu.memory_space<vmem>>
        %dma_start3A_209 = tpu.memref_slice %arg5[%mul3A_205] : memref<4000xi32, #tpu.memory_space<vmem>> -> memref<80xi32, #tpu.memory_space<vmem>>
        %dma_start3A_210 = arith.constant 0 : i32
        %dma_start3A_211 = arith.constant 0 : i32
        %dma_start3A_212 = tpu.memref_slice %arg2[%dma_start3A_210, %dma_start3A_211] : memref<20000x128xf32, #tpu.memory_space<hbm>> -> memref<20000x128xf32, #tpu.memory_space<hbm>>
        tpu.enqueue_indirect_dma source(%dma_start3A_212 : memref<20000x128xf32, #tpu.memory_space<hbm>>) target(%dma_start3A_208 : memref<80x128xf32, #tpu.memory_space<vmem>>) offsets(%dma_start3A_209 : memref<80xi32, #tpu.memory_space<vmem>>) semaphore(%arg8 : memref<!tpu.dma_semaphore, #tpu.memory_space<semaphore_mem>>)
        %mul3A_213 = arith.constant 2 : i32
        %mul3A_214 = arith.muli %mul3A_213, %scan3A_24 : i32
        %add3A_215 = arith.constant 1 : i32
        %add3A_216 = arith.addi %mul3A_214, %add3A_215 : i32
        %mul3A_217 = arith.constant 5 : i32
        %mul3A_218 = arith.muli %add3A_216, %mul3A_217 : i32
        %add3A_219 = arith.constant 2 : i32
        %add3A_220 = arith.addi %mul3A_218, %add3A_219 : i32
        %mul3A_221 = arith.constant 2 : i32
        %mul3A_222 = arith.muli %add3A_220, %mul3A_221 : i32
        %mul3A_223 = arith.constant 40 : i32
        %mul3A_224 = arith.muli %mul3A_222, %mul3A_223 : i32
        %dma_start3A_225 = arith.constant 160 : i32
        %dma_start3A_226 = arith.constant 0 : i32
        %dma_start3A_227 = tpu.memref_slice %arg7[%dma_start3A_225, %dma_start3A_226] : memref<400x128xf32, #tpu.memory_space<vmem>> -> memref<80x128xf32, #tpu.memory_space<vmem>>
        %dma_start3A_228 = tpu.memref_slice %arg5[%mul3A_224] : memref<4000xi32, #tpu.memory_space<vmem>> -> memref<80xi32, #tpu.memory_space<vmem>>
        %dma_start3A_229 = arith.constant 0 : i32
        %dma_start3A_230 = arith.constant 0 : i32
        %dma_start3A_231 = tpu.memref_slice %arg2[%dma_start3A_229, %dma_start3A_230] : memref<20000x128xf32, #tpu.memory_space<hbm>> -> memref<20000x128xf32, #tpu.memory_space<hbm>>
        tpu.enqueue_indirect_dma source(%dma_start3A_231 : memref<20000x128xf32, #tpu.memory_space<hbm>>) target(%dma_start3A_227 : memref<80x128xf32, #tpu.memory_space<vmem>>) offsets(%dma_start3A_228 : memref<80xi32, #tpu.memory_space<vmem>>) semaphore(%arg8 : memref<!tpu.dma_semaphore, #tpu.memory_space<semaphore_mem>>)
        %mul3A_232 = arith.constant 2 : i32
        %mul3A_233 = arith.muli %mul3A_232, %scan3A_24 : i32
        %add3A_234 = arith.constant 1 : i32
        %add3A_235 = arith.addi %mul3A_233, %add3A_234 : i32
        %mul3A_236 = arith.constant 5 : i32
        %mul3A_237 = arith.muli %add3A_235, %mul3A_236 : i32
        %add3A_238 = arith.constant 3 : i32
        %add3A_239 = arith.addi %mul3A_237, %add3A_238 : i32
        %mul3A_240 = arith.constant 2 : i32
        %mul3A_241 = arith.muli %add3A_239, %mul3A_240 : i32
        %mul3A_242 = arith.constant 40 : i32
        %mul3A_243 = arith.muli %mul3A_241, %mul3A_242 : i32
        %dma_start3A_244 = arith.constant 240 : i32
        %dma_start3A_245 = arith.constant 0 : i32
        %dma_start3A_246 = tpu.memref_slice %arg7[%dma_start3A_244, %dma_start3A_245] : memref<400x128xf32, #tpu.memory_space<vmem>> -> memref<80x128xf32, #tpu.memory_space<vmem>>
        %dma_start3A_247 = tpu.memref_slice %arg5[%mul3A_243] : memref<4000xi32, #tpu.memory_space<vmem>> -> memref<80xi32, #tpu.memory_space<vmem>>
        %dma_start3A_248 = arith.constant 0 : i32
        %dma_start3A_249 = arith.constant 0 : i32
        %dma_start3A_250 = tpu.memref_slice %arg2[%dma_start3A_248, %dma_start3A_249] : memref<20000x128xf32, #tpu.memory_space<hbm>> -> memref<20000x128xf32, #tpu.memory_space<hbm>>
        tpu.enqueue_indirect_dma source(%dma_start3A_250 : memref<20000x128xf32, #tpu.memory_space<hbm>>) target(%dma_start3A_246 : memref<80x128xf32, #tpu.memory_space<vmem>>) offsets(%dma_start3A_247 : memref<80xi32, #tpu.memory_space<vmem>>) semaphore(%arg8 : memref<!tpu.dma_semaphore, #tpu.memory_space<semaphore_mem>>)
        %mul3A_251 = arith.constant 2 : i32
        %mul3A_252 = arith.muli %mul3A_251, %scan3A_24 : i32
        %add3A_253 = arith.constant 1 : i32
        %add3A_254 = arith.addi %mul3A_252, %add3A_253 : i32
        %mul3A_255 = arith.constant 5 : i32
        %mul3A_256 = arith.muli %add3A_254, %mul3A_255 : i32
        %add3A_257 = arith.constant 4 : i32
        %add3A_258 = arith.addi %mul3A_256, %add3A_257 : i32
        %mul3A_259 = arith.constant 2 : i32
        %mul3A_260 = arith.muli %add3A_258, %mul3A_259 : i32
        %mul3A_261 = arith.constant 40 : i32
        %mul3A_262 = arith.muli %mul3A_260, %mul3A_261 : i32
        %dma_start3A_263 = arith.constant 320 : i32
        %dma_start3A_264 = arith.constant 0 : i32
        %dma_start3A_265 = tpu.memref_slice %arg7[%dma_start3A_263, %dma_start3A_264] : memref<400x128xf32, #tpu.memory_space<vmem>> -> memref<80x128xf32, #tpu.memory_space<vmem>>
        %dma_start3A_266 = tpu.memref_slice %arg5[%mul3A_262] : memref<4000xi32, #tpu.memory_space<vmem>> -> memref<80xi32, #tpu.memory_space<vmem>>
        %dma_start3A_267 = arith.constant 0 : i32
        %dma_start3A_268 = arith.constant 0 : i32
        %dma_start3A_269 = tpu.memref_slice %arg2[%dma_start3A_267, %dma_start3A_268] : memref<20000x128xf32, #tpu.memory_space<hbm>> -> memref<20000x128xf32, #tpu.memory_space<hbm>>
        tpu.enqueue_indirect_dma source(%dma_start3A_269 : memref<20000x128xf32, #tpu.memory_space<hbm>>) target(%dma_start3A_265 : memref<80x128xf32, #tpu.memory_space<vmem>>) offsets(%dma_start3A_266 : memref<80xi32, #tpu.memory_space<vmem>>) semaphore(%arg8 : memref<!tpu.dma_semaphore, #tpu.memory_space<semaphore_mem>>)
        %dma_wait3A_270 = arith.constant 0 : i32
        %dma_wait3A_271 = arith.constant 0 : i32
        %dma_wait3A_272 = tpu.memref_slice %arg7[%dma_wait3A_270, %dma_wait3A_271] : memref<400x128xf32, #tpu.memory_space<vmem>> -> memref<80x128xf32, #tpu.memory_space<vmem>>
        %dma_wait3A_273 = tpu.memref_slice %arg5[%mul3A_186] : memref<4000xi32, #tpu.memory_space<vmem>> -> memref<80xi32, #tpu.memory_space<vmem>>
        %dma_wait3A_274 = arith.constant 0 : i32
        %dma_wait3A_275 = arith.constant 0 : i32
        %dma_wait3A_276 = tpu.memref_slice %arg2[%dma_wait3A_274, %dma_wait3A_275] : memref<20000x128xf32, #tpu.memory_space<hbm>> -> memref<20000x128xf32, #tpu.memory_space<hbm>>
        tpu.wait_indirect_dma semaphore(%arg8 : memref<!tpu.dma_semaphore, #tpu.memory_space<semaphore_mem>>) src(%dma_wait3A_276 : memref<20000x128xf32, #tpu.memory_space<hbm>>) dst(%dma_wait3A_272 : memref<80x128xf32, #tpu.memory_space<vmem>>)
        %dma_wait3A_277 = arith.constant 80 : i32
        %dma_wait3A_278 = arith.constant 0 : i32
        %dma_wait3A_279 = tpu.memref_slice %arg7[%dma_wait3A_277, %dma_wait3A_278] : memref<400x128xf32, #tpu.memory_space<vmem>> -> memref<80x128xf32, #tpu.memory_space<vmem>>
        %dma_wait3A_280 = tpu.memref_slice %arg5[%mul3A_205] : memref<4000xi32, #tpu.memory_space<vmem>> -> memref<80xi32, #tpu.memory_space<vmem>>
        %dma_wait3A_281 = arith.constant 0 : i32
        %dma_wait3A_282 = arith.constant 0 : i32
        %dma_wait3A_283 = tpu.memref_slice %arg2[%dma_wait3A_281, %dma_wait3A_282] : memref<20000x128xf32, #tpu.memory_space<hbm>> -> memref<20000x128xf32, #tpu.memory_space<hbm>>
        tpu.wait_indirect_dma semaphore(%arg8 : memref<!tpu.dma_semaphore, #tpu.memory_space<semaphore_mem>>) src(%dma_wait3A_283 : memref<20000x128xf32, #tpu.memory_space<hbm>>) dst(%dma_wait3A_279 : memref<80x128xf32, #tpu.memory_space<vmem>>)
        %dma_wait3A_284 = arith.constant 160 : i32
        %dma_wait3A_285 = arith.constant 0 : i32
        %dma_wait3A_286 = tpu.memref_slice %arg7[%dma_wait3A_284, %dma_wait3A_285] : memref<400x128xf32, #tpu.memory_space<vmem>> -> memref<80x128xf32, #tpu.memory_space<vmem>>
        %dma_wait3A_287 = tpu.memref_slice %arg5[%mul3A_224] : memref<4000xi32, #tpu.memory_space<vmem>> -> memref<80xi32, #tpu.memory_space<vmem>>
        %dma_wait3A_288 = arith.constant 0 : i32
        %dma_wait3A_289 = arith.constant 0 : i32
        %dma_wait3A_290 = tpu.memref_slice %arg2[%dma_wait3A_288, %dma_wait3A_289] : memref<20000x128xf32, #tpu.memory_space<hbm>> -> memref<20000x128xf32, #tpu.memory_space<hbm>>
        tpu.wait_indirect_dma semaphore(%arg8 : memref<!tpu.dma_semaphore, #tpu.memory_space<semaphore_mem>>) src(%dma_wait3A_290 : memref<20000x128xf32, #tpu.memory_space<hbm>>) dst(%dma_wait3A_286 : memref<80x128xf32, #tpu.memory_space<vmem>>)
        %dma_wait3A_291 = arith.constant 240 : i32
        %dma_wait3A_292 = arith.constant 0 : i32
        %dma_wait3A_293 = tpu.memref_slice %arg7[%dma_wait3A_291, %dma_wait3A_292] : memref<400x128xf32, #tpu.memory_space<vmem>> -> memref<80x128xf32, #tpu.memory_space<vmem>>
        %dma_wait3A_294 = tpu.memref_slice %arg5[%mul3A_243] : memref<4000xi32, #tpu.memory_space<vmem>> -> memref<80xi32, #tpu.memory_space<vmem>>
        %dma_wait3A_295 = arith.constant 0 : i32
        %dma_wait3A_296 = arith.constant 0 : i32
        %dma_wait3A_297 = tpu.memref_slice %arg2[%dma_wait3A_295, %dma_wait3A_296] : memref<20000x128xf32, #tpu.memory_space<hbm>> -> memref<20000x128xf32, #tpu.memory_space<hbm>>
        tpu.wait_indirect_dma semaphore(%arg8 : memref<!tpu.dma_semaphore, #tpu.memory_space<semaphore_mem>>) src(%dma_wait3A_297 : memref<20000x128xf32, #tpu.memory_space<hbm>>) dst(%dma_wait3A_293 : memref<80x128xf32, #tpu.memory_space<vmem>>)
        %dma_wait3A_298 = arith.constant 320 : i32
        %dma_wait3A_299 = arith.constant 0 : i32
        %dma_wait3A_300 = tpu.memref_slice %arg7[%dma_wait3A_298, %dma_wait3A_299] : memref<400x128xf32, #tpu.memory_space<vmem>> -> memref<80x128xf32, #tpu.memory_space<vmem>>
        %dma_wait3A_301 = tpu.memref_slice %arg5[%mul3A_262] : memref<4000xi32, #tpu.memory_space<vmem>> -> memref<80xi32, #tpu.memory_space<vmem>>
        %dma_wait3A_302 = arith.constant 0 : i32
        %dma_wait3A_303 = arith.constant 0 : i32
        %dma_wait3A_304 = tpu.memref_slice %arg2[%dma_wait3A_302, %dma_wait3A_303] : memref<20000x128xf32, #tpu.memory_space<hbm>> -> memref<20000x128xf32, #tpu.memory_space<hbm>>
        tpu.wait_indirect_dma semaphore(%arg8 : memref<!tpu.dma_semaphore, #tpu.memory_space<semaphore_mem>>) src(%dma_wait3A_304 : memref<20000x128xf32, #tpu.memory_space<hbm>>) dst(%dma_wait3A_300 : memref<80x128xf32, #tpu.memory_space<vmem>>)
        %mul3A_305 = arith.constant 50 : i32
        %mul3A_306 = arith.muli %scan3A_10, %mul3A_305 : i32
        %mul3A_307 = arith.constant 2 : i32
        %mul3A_308 = arith.muli %mul3A_306, %mul3A_307 : i32
        %mul3A_309 = arith.constant 40 : i32
        %mul3A_310 = arith.muli %mul3A_308, %mul3A_309 : i32
        %add3A_311 = arith.addi %mul3A_4, %mul3A_310 : i32
        %mul3A_312 = arith.constant 2 : i32
        %mul3A_313 = arith.muli %mul3A_312, %scan3A_24 : i32
        %add3A_314 = arith.constant 1 : i32
        %add3A_315 = arith.addi %mul3A_313, %add3A_314 : i32
        %mul3A_316 = arith.constant 400 : i32
        %mul3A_317 = arith.muli %add3A_315, %mul3A_316 : i32
        %add3A_318 = arith.addi %add3A_311, %mul3A_317 : i32
        %dma_start3A_319 = arith.constant 0 : i32
        %dma_start3A_320 = tpu.memref_slice %arg4[%add3A_318, %dma_start3A_319] : memref<640000x128xf32, #tpu.memory_space<hbm>> -> memref<400x128xf32, #tpu.memory_space<hbm>>
        %dma_start3A_321 = arith.constant 0 : i32
        %dma_start3A_322 = tpu.memref_slice %arg4[%add3A_318, %dma_start3A_321] : memref<640000x128xf32, #tpu.memory_space<hbm>> -> memref<400x128xf32, #tpu.memory_space<hbm>>
        tpu.enqueue_dma source(%arg7 : memref<400x128xf32, #tpu.memory_space<vmem>>) target(%dma_start3A_322 : memref<400x128xf32, #tpu.memory_space<hbm>>) target_semaphore(%arg9 : memref<!tpu.dma_semaphore, #tpu.memory_space<semaphore_mem>>)
        %dma_wait3A_323 = arith.constant 0 : i32
        %dma_wait3A_324 = tpu.memref_slice %arg4[%add3A_318, %dma_wait3A_323] : memref<640000x128xf32, #tpu.memory_space<hbm>> -> memref<400x128xf32, #tpu.memory_space<hbm>>
        %dma_wait3A_325 = arith.constant 0 : i32
        %dma_wait3A_326 = tpu.memref_slice %arg4[%add3A_318, %dma_wait3A_325] : memref<640000x128xf32, #tpu.memory_space<hbm>> -> memref<400x128xf32, #tpu.memory_space<hbm>>
        tpu.wait_dma2 semaphore(%arg9 : memref<!tpu.dma_semaphore, #tpu.memory_space<semaphore_mem>>) src(%arg7 : memref<400x128xf32, #tpu.memory_space<vmem>>) dst(%dma_wait3A_326 : memref<400x128xf32, #tpu.memory_space<hbm>>)
      }
      %scan3A_23 = arith.constant 5 : i32
    }
    %scan3A_9 = arith.constant 5 : i32
    return
  }
}

module attributes {stable_mosaic.version = 14 : i64} {
  func.func @_pre_body(%arg0: i32, %arg1: memref<1000x128xf32, #tpu.memory_space<vmem>>, %arg2: memref<128x128xf32, #tpu.memory_space<vmem>>, %arg3: memref<128x128xf32, #tpu.memory_space<vmem>>, %arg4: memref<128x128xf32, #tpu.memory_space<vmem>>, %arg5: memref<1000x128xf32, #tpu.memory_space<vmem>>, %arg6: memref<1000x128xf32, #tpu.memory_space<vmem>>, %arg7: memref<1000x128xf32, #tpu.memory_space<vmem>>) attributes {dimension_semantics = [#tpu.dimension_semantics<arbitrary>], iteration_bounds = array<i64: 10>, scalar_prefetch = 0 : i64, scratch_operands = 0 : i64, tpu.core_type = #tpu.core_type<tc>, window_params = [{transform_indices = @transform_0, window_bounds = array<i64: 1000, 128>}, {pipeline_mode = #tpu.pipeline_mode<synchronous>, transform_indices = @transform_1, window_bounds = array<i64: 128, 128>}, {pipeline_mode = #tpu.pipeline_mode<synchronous>, transform_indices = @transform_2, window_bounds = array<i64: 128, 128>}, {pipeline_mode = #tpu.pipeline_mode<synchronous>, transform_indices = @transform_3, window_bounds = array<i64: 128, 128>}, {transform_indices = @transform_4, window_bounds = array<i64: 1000, 128>}, {transform_indices = @transform_5, window_bounds = array<i64: 1000, 128>}, {transform_indices = @transform_6, window_bounds = array<i64: 1000, 128>}]} {
    %get3A = arith.constant 0 : index
    %get3A_0 = arith.constant 0 : index
    %get3A_1 = vector.load %arg1[%get3A, %get3A_0] : memref<1000x128xf32, #tpu.memory_space<vmem>>, vector<1000x128xf32>
    %get3A_2 = arith.constant 0 : index
    %get3A_3 = arith.constant 0 : index
    %get3A_4 = vector.load %arg2[%get3A_2, %get3A_3] : memref<128x128xf32, #tpu.memory_space<vmem>>, vector<128x128xf32>
    %dot_general3A = arith.constant dense<0.000000e+00> : vector<1000x128xf32>
    %dot_general3A_5 = tpu.matmul %get3A_1, %get3A_4, %dot_general3A {dimension_numbers = #tpu.dot_dimension_numbers<[1], [0], [0], [1], [0, 0, 1, 1], [], []>, transpose_lhs_hint = false} : vector<1000x128xf32>, vector<128x128xf32>, vector<1000x128xf32> -> vector<1000x128xf32>
    %swap3A = arith.constant 0 : index
    %swap3A_6 = arith.constant 0 : index
    %swap3A_7 = vector.load %arg5[%swap3A, %swap3A_6] : memref<1000x128xf32, #tpu.memory_space<vmem>>, vector<1000x128xf32>
    tpu.vector_store %arg5[%swap3A, %swap3A_6], %dot_general3A_5 {strides = array<i32>} : memref<1000x128xf32, #tpu.memory_space<vmem>>, vector<1000x128xf32>,
    %get3A_8 = arith.constant 0 : index
    %get3A_9 = arith.constant 0 : index
    %get3A_10 = vector.load %arg3[%get3A_8, %get3A_9] : memref<128x128xf32, #tpu.memory_space<vmem>>, vector<128x128xf32>
    %dot_general3A_11 = arith.constant dense<0.000000e+00> : vector<1000x128xf32>
    %dot_general3A_12 = tpu.matmul %get3A_1, %get3A_10, %dot_general3A_11 {dimension_numbers = #tpu.dot_dimension_numbers<[1], [0], [0], [1], [0, 0, 1, 1], [], []>, transpose_lhs_hint = false} : vector<1000x128xf32>, vector<128x128xf32>, vector<1000x128xf32> -> vector<1000x128xf32>
    %swap3A_13 = arith.constant 0 : index
    %swap3A_14 = arith.constant 0 : index
    %swap3A_15 = vector.load %arg6[%swap3A_13, %swap3A_14] : memref<1000x128xf32, #tpu.memory_space<vmem>>, vector<1000x128xf32>
    tpu.vector_store %arg6[%swap3A_13, %swap3A_14], %dot_general3A_12 {strides = array<i32>} : memref<1000x128xf32, #tpu.memory_space<vmem>>, vector<1000x128xf32>,
    %get3A_16 = arith.constant 0 : index
    %get3A_17 = arith.constant 0 : index
    %get3A_18 = vector.load %arg4[%get3A_16, %get3A_17] : memref<128x128xf32, #tpu.memory_space<vmem>>, vector<128x128xf32>
    %dot_general3A_19 = arith.constant dense<0.000000e+00> : vector<1000x128xf32>
    %dot_general3A_20 = tpu.matmul %get3A_1, %get3A_18, %dot_general3A_19 {dimension_numbers = #tpu.dot_dimension_numbers<[1], [0], [0], [1], [0, 0, 1, 1], [], []>, transpose_lhs_hint = false} : vector<1000x128xf32>, vector<128x128xf32>, vector<1000x128xf32> -> vector<1000x128xf32>
    %swap3A_21 = arith.constant 0 : index
    %swap3A_22 = arith.constant 0 : index
    %swap3A_23 = vector.load %arg7[%swap3A_21, %swap3A_22] : memref<1000x128xf32, #tpu.memory_space<vmem>>, vector<1000x128xf32>
    tpu.vector_store %arg7[%swap3A_21, %swap3A_22], %dot_general3A_20 {strides = array<i32>} : memref<1000x128xf32, #tpu.memory_space<vmem>>, vector<1000x128xf32>,
    return
  }
  func.func @transform_0(%arg0: i32) -> (i32, i32) {
    %c0_i32 = arith.constant 0 : i32
    %c0_i32_0 = arith.constant 0 : i32
    return %arg0, %c0_i32 : i32, i32
  }
  func.func @transform_1(%arg0: i32) -> (i32, i32) {
    %c0_i32 = arith.constant 0 : i32
    %c0_i32_0 = arith.constant 0 : i32
    %c0_i32_1 = arith.constant 0 : i32
    return %c0_i32, %c0_i32_0 : i32, i32
  }
  func.func @transform_2(%arg0: i32) -> (i32, i32) {
    %c0_i32 = arith.constant 0 : i32
    %c0_i32_0 = arith.constant 0 : i32
    %c0_i32_1 = arith.constant 0 : i32
    return %c0_i32, %c0_i32_0 : i32, i32
  }
  func.func @transform_3(%arg0: i32) -> (i32, i32) {
    %c0_i32 = arith.constant 0 : i32
    %c0_i32_0 = arith.constant 0 : i32
    %c0_i32_1 = arith.constant 0 : i32
    return %c0_i32, %c0_i32_0 : i32, i32
  }
  func.func @transform_4(%arg0: i32) -> (i32, i32) {
    %c0_i32 = arith.constant 0 : i32
    %c0_i32_0 = arith.constant 0 : i32
    return %arg0, %c0_i32 : i32, i32
  }
  func.func @transform_5(%arg0: i32) -> (i32, i32) {
    %c0_i32 = arith.constant 0 : i32
    %c0_i32_0 = arith.constant 0 : i32
    return %arg0, %c0_i32 : i32, i32
  }
  func.func @transform_6(%arg0: i32) -> (i32, i32) {
    %c0_i32 = arith.constant 0 : i32
    %c0_i32_0 = arith.constant 0 : i32
    return %arg0, %c0_i32 : i32, i32
  }
}

module attributes {stable_mosaic.version = 14 : i64} {
  func.func @_edge_body(%arg0: i32, %arg1: memref<2000x256xf32, #tpu.memory_space<vmem>>, %arg2: memref<2000x128xf32, #tpu.memory_space<vmem>>, %arg3: memref<128x128xf32, #tpu.memory_space<vmem>>, %arg4: memref<1x128xf32, #tpu.memory_space<vmem>>, %arg5: memref<128x128xf32, #tpu.memory_space<vmem>>, %arg6: memref<1x128xf32, #tpu.memory_space<vmem>>, %arg7: memref<2000x128xf32, #tpu.memory_space<vmem>>) attributes {dimension_semantics = [#tpu.dimension_semantics<arbitrary>], iteration_bounds = array<i64: 160>, scalar_prefetch = 0 : i64, scratch_operands = 0 : i64, tpu.core_type = #tpu.core_type<tc>, window_params = [{transform_indices = @transform_0, window_bounds = array<i64: 2000, 256>}, {transform_indices = @transform_1, window_bounds = array<i64: 2000, 128>}, {pipeline_mode = #tpu.pipeline_mode<synchronous>, transform_indices = @transform_2, window_bounds = array<i64: 128, 128>}, {pipeline_mode = #tpu.pipeline_mode<synchronous>, transform_indices = @transform_3, window_bounds = array<i64: 1, 128>}, {pipeline_mode = #tpu.pipeline_mode<synchronous>, transform_indices = @transform_4, window_bounds = array<i64: 128, 128>}, {pipeline_mode = #tpu.pipeline_mode<synchronous>, transform_indices = @transform_5, window_bounds = array<i64: 1, 128>}, {transform_indices = @transform_6, window_bounds = array<i64: 2000, 128>}]} {
    %get3A = arith.constant 0 : index
    %get3A_0 = arith.constant 0 : index
    %get3A_1 = vector.load %arg1[%get3A, %get3A_0] : memref<2000x256xf32, #tpu.memory_space<vmem>>, vector<2000x256xf32>
    %slice3A = vector.extract_strided_slice %get3A_1 {offsets = [0, 0], sizes = [2000, 128], strides = [1, 1]} : vector<2000x256xf32> to vector<2000x128xf32>
    %slice3A_2 = vector.extract_strided_slice %get3A_1 {offsets = [0, 128], sizes = [2000, 128], strides = [1, 1]} : vector<2000x256xf32> to vector<2000x128xf32>
    %add3A = arith.addf %slice3A, %slice3A_2 : vector<2000x128xf32>
    %get3A_3 = arith.constant 0 : index
    %get3A_4 = arith.constant 0 : index
    %get3A_5 = vector.load %arg2[%get3A_3, %get3A_4] : memref<2000x128xf32, #tpu.memory_space<vmem>>, vector<2000x128xf32>
    %get3A_6 = arith.constant 0 : index
    %get3A_7 = arith.constant 0 : index
    %get3A_8 = vector.load %arg3[%get3A_6, %get3A_7] : memref<128x128xf32, #tpu.memory_space<vmem>>, vector<128x128xf32>
    %dot_general3A = arith.constant dense<0.000000e+00> : vector<2000x128xf32>
    %dot_general3A_9 = tpu.matmul %get3A_5, %get3A_8, %dot_general3A {dimension_numbers = #tpu.dot_dimension_numbers<[1], [0], [0], [1], [0, 0, 1, 1], [], []>, transpose_lhs_hint = false} : vector<2000x128xf32>, vector<128x128xf32>, vector<2000x128xf32> -> vector<2000x128xf32>
    %add3A_10 = arith.addf %add3A, %dot_general3A_9 : vector<2000x128xf32>
    %get3A_11 = arith.constant 0 : index
    %get3A_12 = arith.constant 0 : index
    %get3A_13 = vector.load %arg4[%get3A_11, %get3A_12] : memref<1x128xf32, #tpu.memory_space<vmem>>, vector<1x128xf32>
    %add3A_14 = vector.broadcast %get3A_13 : vector<1x128xf32> to vector<2000x128xf32>
    %add3A_15 = arith.addf %add3A_10, %add3A_14 : vector<2000x128xf32>
    %logistic3A = arith.negf %add3A_15 : vector<2000x128xf32>
    %logistic3A_16 = math.exp %logistic3A : vector<2000x128xf32>
    %logistic3A_17 = arith.constant 1.000000e+00 : f32
    %logistic3A_18 = vector.broadcast %logistic3A_17 : f32 to vector<2000x128xf32>
    %logistic3A_19 = arith.addf %logistic3A_18, %logistic3A_16 : vector<2000x128xf32>
    %logistic3A_20 = arith.divf %logistic3A_18, %logistic3A_19 : vector<2000x128xf32>
    %mul3A = arith.mulf %add3A_15, %logistic3A_20 : vector<2000x128xf32>
    %get3A_21 = arith.constant 0 : index
    %get3A_22 = arith.constant 0 : index
    %get3A_23 = vector.load %arg5[%get3A_21, %get3A_22] : memref<128x128xf32, #tpu.memory_space<vmem>>, vector<128x128xf32>
    %dot_general3A_24 = arith.constant dense<0.000000e+00> : vector<2000x128xf32>
    %dot_general3A_25 = tpu.matmul %mul3A, %get3A_23, %dot_general3A_24 {dimension_numbers = #tpu.dot_dimension_numbers<[1], [0], [0], [1], [0, 0, 1, 1], [], []>, transpose_lhs_hint = false} : vector<2000x128xf32>, vector<128x128xf32>, vector<2000x128xf32> -> vector<2000x128xf32>
    %get3A_26 = arith.constant 0 : index
    %get3A_27 = arith.constant 0 : index
    %get3A_28 = vector.load %arg6[%get3A_26, %get3A_27] : memref<1x128xf32, #tpu.memory_space<vmem>>, vector<1x128xf32>
    %add3A_29 = vector.broadcast %get3A_28 : vector<1x128xf32> to vector<2000x128xf32>
    %add3A_30 = arith.addf %dot_general3A_25, %add3A_29 : vector<2000x128xf32>
    %swap3A = arith.constant 0 : index
    %swap3A_31 = arith.constant 0 : index
    %swap3A_32 = vector.load %arg7[%swap3A, %swap3A_31] : memref<2000x128xf32, #tpu.memory_space<vmem>>, vector<2000x128xf32>
    tpu.vector_store %arg7[%swap3A, %swap3A_31], %add3A_30 {strides = array<i32>} : memref<2000x128xf32, #tpu.memory_space<vmem>>, vector<2000x128xf32>,
    return
  }
  func.func @transform_0(%arg0: i32) -> (i32, i32) {
    %c0_i32 = arith.constant 0 : i32
    %c0_i32_0 = arith.constant 0 : i32
    return %arg0, %c0_i32 : i32, i32
  }
  func.func @transform_1(%arg0: i32) -> (i32, i32) {
    %c0_i32 = arith.constant 0 : i32
    %c0_i32_0 = arith.constant 0 : i32
    return %arg0, %c0_i32 : i32, i32
  }
  func.func @transform_2(%arg0: i32) -> (i32, i32) {
    %c0_i32 = arith.constant 0 : i32
    %c0_i32_0 = arith.constant 0 : i32
    %c0_i32_1 = arith.constant 0 : i32
    return %c0_i32, %c0_i32_0 : i32, i32
  }
  func.func @transform_3(%arg0: i32) -> (i32, i32) {
    %c0_i32 = arith.constant 0 : i32
    %c0_i32_0 = arith.constant 0 : i32
    %c0_i32_1 = arith.constant 0 : i32
    return %c0_i32, %c0_i32_0 : i32, i32
  }
  func.func @transform_4(%arg0: i32) -> (i32, i32) {
    %c0_i32 = arith.constant 0 : i32
    %c0_i32_0 = arith.constant 0 : i32
    %c0_i32_1 = arith.constant 0 : i32
    return %c0_i32, %c0_i32_0 : i32, i32
  }
  func.func @transform_5(%arg0: i32) -> (i32, i32) {
    %c0_i32 = arith.constant 0 : i32
    %c0_i32_0 = arith.constant 0 : i32
    %c0_i32_1 = arith.constant 0 : i32
    return %c0_i32, %c0_i32_0 : i32, i32
  }
  func.func @transform_6(%arg0: i32) -> (i32, i32) {
    %c0_i32 = arith.constant 0 : i32
    %c0_i32_0 = arith.constant 0 : i32
    return %arg0, %c0_i32 : i32, i32
  }
}

module attributes {stable_mosaic.version = 14 : i64} {
  func.func @_node_body(%arg0: i32, %arg1: memref<2x1000x128xf32, #tpu.memory_space<vmem>>, %arg2: memref<1000x128xf32, #tpu.memory_space<vmem>>, %arg3: memref<64x128xf32, #tpu.memory_space<vmem>>, %arg4: memref<64x128xf32, #tpu.memory_space<vmem>>, %arg5: memref<1x128xf32, #tpu.memory_space<vmem>>, %arg6: memref<128x128xf32, #tpu.memory_space<vmem>>, %arg7: memref<1x128xf32, #tpu.memory_space<vmem>>, %arg8: memref<1000x128xf32, #tpu.memory_space<vmem>>) attributes {dimension_semantics = [#tpu.dimension_semantics<arbitrary>], iteration_bounds = array<i64: 10>, scalar_prefetch = 0 : i64, scratch_operands = 0 : i64, tpu.core_type = #tpu.core_type<tc>, window_params = [{transform_indices = @transform_0, window_bounds = array<i64: 2, 1000, 128>}, {transform_indices = @transform_1, window_bounds = array<i64: 1000, 128>}, {pipeline_mode = #tpu.pipeline_mode<synchronous>, transform_indices = @transform_2, window_bounds = array<i64: 64, 128>}, {pipeline_mode = #tpu.pipeline_mode<synchronous>, transform_indices = @transform_3, window_bounds = array<i64: 64, 128>}, {pipeline_mode = #tpu.pipeline_mode<synchronous>, transform_indices = @transform_4, window_bounds = array<i64: 1, 128>}, {pipeline_mode = #tpu.pipeline_mode<synchronous>, transform_indices = @transform_5, window_bounds = array<i64: 128, 128>}, {pipeline_mode = #tpu.pipeline_mode<synchronous>, transform_indices = @transform_6, window_bounds = array<i64: 1, 128>}, {transform_indices = @transform_7, window_bounds = array<i64: 1000, 128>}]} {
    %get3A = arith.constant 0 : index
    %get3A_0 = arith.constant 0 : index
    %get3A_1 = arith.constant 0 : index
    %get3A_2 = vector.load %arg1[%get3A, %get3A_0, %get3A_1] : memref<2x1000x128xf32, #tpu.memory_space<vmem>>, vector<1x1000x64xf32>
    %get3A_3 = vector.shape_cast %get3A_2 : vector<1x1000x64xf32> to vector<1000x64xf32>
    %get3A_4 = arith.constant 1 : index
    %get3A_5 = arith.constant 0 : index
    %get3A_6 = arith.constant 64 : index
    %get3A_7 = vector.load %arg1[%get3A_4, %get3A_5, %get3A_6] : memref<2x1000x128xf32, #tpu.memory_space<vmem>>, vector<1x1000x64xf32>
    %get3A_8 = vector.shape_cast %get3A_7 : vector<1x1000x64xf32> to vector<1000x64xf32>
    %get3A_9 = arith.constant 0 : index
    %get3A_10 = arith.constant 0 : index
    %get3A_11 = arith.constant 64 : index
    %get3A_12 = vector.load %arg1[%get3A_9, %get3A_10, %get3A_11] : memref<2x1000x128xf32, #tpu.memory_space<vmem>>, vector<1x1000x1xf32>
    %get3A_13 = vector.shape_cast %get3A_12 : vector<1x1000x1xf32> to vector<1000x1xf32>
    %get3A_14 = arith.constant 1 : index
    %get3A_15 = arith.constant 0 : index
    %get3A_16 = arith.constant 0 : index
    %get3A_17 = vector.load %arg1[%get3A_14, %get3A_15, %get3A_16] : memref<2x1000x128xf32, #tpu.memory_space<vmem>>, vector<1x1000x1xf32>
    %get3A_18 = vector.shape_cast %get3A_17 : vector<1x1000x1xf32> to vector<1000x1xf32>
    %max3A = arith.constant 1.000000e+00 : f32
    %max3A_19 = vector.broadcast %max3A : f32 to vector<1000x1xf32>
    %max3A_20 = arith.maximumf %get3A_13, %max3A_19 : vector<1000x1xf32>
    %div3A = vector.broadcast %max3A_20 : vector<1000x1xf32> to vector<1000x64xf32>
    %div3A_21 = arith.divf %get3A_3, %div3A : vector<1000x64xf32>
    %max3A_22 = arith.constant 1.000000e+00 : f32
    %max3A_23 = vector.broadcast %max3A_22 : f32 to vector<1000x1xf32>
    %max3A_24 = arith.maximumf %get3A_18, %max3A_23 : vector<1000x1xf32>
    %div3A_25 = vector.broadcast %max3A_24 : vector<1000x1xf32> to vector<1000x64xf32>
    %div3A_26 = arith.divf %get3A_8, %div3A_25 : vector<1000x64xf32>
    %get3A_27 = arith.constant 0 : index
    %get3A_28 = arith.constant 0 : index
    %get3A_29 = vector.load %arg2[%get3A_27, %get3A_28] : memref<1000x128xf32, #tpu.memory_space<vmem>>, vector<1000x128xf32>
    %get3A_30 = arith.constant 0 : index
    %get3A_31 = arith.constant 0 : index
    %get3A_32 = vector.load %arg3[%get3A_30, %get3A_31] : memref<64x128xf32, #tpu.memory_space<vmem>>, vector<64x128xf32>
    %dot_general3A = arith.constant dense<0.000000e+00> : vector<1000x128xf32>
    %dot_general3A_33 = tpu.matmul %div3A_21, %get3A_32, %dot_general3A {dimension_numbers = #tpu.dot_dimension_numbers<[1], [0], [0], [1], [0, 0, 1, 1], [], []>, transpose_lhs_hint = false} : vector<1000x64xf32>, vector<64x128xf32>, vector<1000x128xf32> -> vector<1000x128xf32>
    %add3A = arith.addf %get3A_29, %dot_general3A_33 : vector<1000x128xf32>
    %get3A_34 = arith.constant 0 : index
    %get3A_35 = arith.constant 0 : index
    %get3A_36 = vector.load %arg4[%get3A_34, %get3A_35] : memref<64x128xf32, #tpu.memory_space<vmem>>, vector<64x128xf32>
    %dot_general3A_37 = arith.constant dense<0.000000e+00> : vector<1000x128xf32>
    %dot_general3A_38 = tpu.matmul %div3A_26, %get3A_36, %dot_general3A_37 {dimension_numbers = #tpu.dot_dimension_numbers<[1], [0], [0], [1], [0, 0, 1, 1], [], []>, transpose_lhs_hint = false} : vector<1000x64xf32>, vector<64x128xf32>, vector<1000x128xf32> -> vector<1000x128xf32>
    %add3A_39 = arith.addf %add3A, %dot_general3A_38 : vector<1000x128xf32>
    %get3A_40 = arith.constant 0 : index
    %get3A_41 = arith.constant 0 : index
    %get3A_42 = vector.load %arg5[%get3A_40, %get3A_41] : memref<1x128xf32, #tpu.memory_space<vmem>>, vector<1x128xf32>
    %add3A_43 = vector.broadcast %get3A_42 : vector<1x128xf32> to vector<1000x128xf32>
    %add3A_44 = arith.addf %add3A_39, %add3A_43 : vector<1000x128xf32>
    %logistic3A = arith.negf %add3A_44 : vector<1000x128xf32>
    %logistic3A_45 = math.exp %logistic3A : vector<1000x128xf32>
    %logistic3A_46 = arith.constant 1.000000e+00 : f32
    %logistic3A_47 = vector.broadcast %logistic3A_46 : f32 to vector<1000x128xf32>
    %logistic3A_48 = arith.addf %logistic3A_47, %logistic3A_45 : vector<1000x128xf32>
    %logistic3A_49 = arith.divf %logistic3A_47, %logistic3A_48 : vector<1000x128xf32>
    %mul3A = arith.mulf %add3A_44, %logistic3A_49 : vector<1000x128xf32>
    %get3A_50 = arith.constant 0 : index
    %get3A_51 = arith.constant 0 : index
    %get3A_52 = vector.load %arg6[%get3A_50, %get3A_51] : memref<128x128xf32, #tpu.memory_space<vmem>>, vector<128x128xf32>
    %dot_general3A_53 = arith.constant dense<0.000000e+00> : vector<1000x128xf32>
    %dot_general3A_54 = tpu.matmul %mul3A, %get3A_52, %dot_general3A_53 {dimension_numbers = #tpu.dot_dimension_numbers<[1], [0], [0], [1], [0, 0, 1, 1], [], []>, transpose_lhs_hint = false} : vector<1000x128xf32>, vector<128x128xf32>, vector<1000x128xf32> -> vector<1000x128xf32>
    %get3A_55 = arith.constant 0 : index
    %get3A_56 = arith.constant 0 : index
    %get3A_57 = vector.load %arg7[%get3A_55, %get3A_56] : memref<1x128xf32, #tpu.memory_space<vmem>>, vector<1x128xf32>
    %add3A_58 = vector.broadcast %get3A_57 : vector<1x128xf32> to vector<1000x128xf32>
    %add3A_59 = arith.addf %dot_general3A_54, %add3A_58 : vector<1000x128xf32>
    %swap3A = arith.constant 0 : index
    %swap3A_60 = arith.constant 0 : index
    %swap3A_61 = vector.load %arg8[%swap3A, %swap3A_60] : memref<1000x128xf32, #tpu.memory_space<vmem>>, vector<1000x128xf32>
    tpu.vector_store %arg8[%swap3A, %swap3A_60], %add3A_59 {strides = array<i32>} : memref<1000x128xf32, #tpu.memory_space<vmem>>, vector<1000x128xf32>,
    return
  }
  func.func @transform_0(%arg0: i32) -> (i32, i32, i32) {
    %c0_i32 = arith.constant 0 : i32
    %c0_i32_0 = arith.constant 0 : i32
    %c0_i32_1 = arith.constant 0 : i32
    return %c0_i32, %arg0, %c0_i32_0 : i32, i32, i32
  }
  func.func @transform_1(%arg0: i32) -> (i32, i32) {
    %c0_i32 = arith.constant 0 : i32
    %c0_i32_0 = arith.constant 0 : i32
    return %arg0, %c0_i32 : i32, i32
  }
  func.func @transform_2(%arg0: i32) -> (i32, i32) {
    %c0_i32 = arith.constant 0 : i32
    %c0_i32_0 = arith.constant 0 : i32
    %c0_i32_1 = arith.constant 0 : i32
    return %c0_i32, %c0_i32_0 : i32, i32
  }
  func.func @transform_3(%arg0: i32) -> (i32, i32) {
    %c0_i32 = arith.constant 0 : i32
    %c0_i32_0 = arith.constant 0 : i32
    %c0_i32_1 = arith.constant 0 : i32
    return %c0_i32, %c0_i32_0 : i32, i32
  }
  func.func @transform_4(%arg0: i32) -> (i32, i32) {
    %c0_i32 = arith.constant 0 : i32
    %c0_i32_0 = arith.constant 0 : i32
    %c0_i32_1 = arith.constant 0 : i32
    return %c0_i32, %c0_i32_0 : i32, i32
  }
  func.func @transform_5(%arg0: i32) -> (i32, i32) {
    %c0_i32 = arith.constant 0 : i32
    %c0_i32_0 = arith.constant 0 : i32
    %c0_i32_1 = arith.constant 0 : i32
    return %c0_i32, %c0_i32_0 : i32, i32
  }
  func.func @transform_6(%arg0: i32) -> (i32, i32) {
    %c0_i32 = arith.constant 0 : i32
    %c0_i32_0 = arith.constant 0 : i32
    %c0_i32_1 = arith.constant 0 : i32
    return %c0_i32, %c0_i32_0 : i32, i32
  }
  func.func @transform_7(%arg0: i32) -> (i32, i32) {
    %c0_i32 = arith.constant 0 : i32
    %c0_i32_0 = arith.constant 0 : i32
    return %arg0, %c0_i32 : i32, i32
  }
}

</mosaic_0001>

<sc_bundles>
// kernel: kernel.10.cloned.1.call-start
scs
__scs_entry_jumppad:
0x0: {  	(pc) =	sbr.rel $0x88, $3  }
0x1: {  	(tag) =	ssettag $0x0;
	lr =	simm.s32 $0x1  }
0x2: {  	[smem:$0x3F96] =	sst lr;
	_ =	strace $0xD0000000  }
0x3: {  	_ = 	snop  }
0x4: {  	_ = 	snop  }
0x5: {  	_ = 	snop  }
0x6: {  	_ = 	snop  }
0x7: {  	_ = 	snop  }
__scs_overlays_trampoline_lowered:
0x8: {  	[smem:$0x3FA5] =	sst s0  }
0x9: {  	[smem:$0x3FA6] =	sst s1  }
0xa: {  	[smem:$0x3FA7] =	sst s2  }
0xb: {  	[smem:$0x3FA8] =	sst s3  }
0xc: {  	[smem:$0x3FA9] =	sst s4  }
0xd: {  	[smem:$0x3FAA] =	sst s5  }
0xe: {  	[smem:$0x3FAB] =	sst s6  }
0xf: {  	[smem:$0x3FAC] =	sst s7  }
0x10: {  	[smem:$0x3FAD] =	sst s8  }
0x11: {  	[smem:$0x3FAE] =	sst s9;
	s0 =	simm.s32 @!p0 $0x0  }
0x12: {  	s1 =	sld [smem:$0x3F94];
	s0 =	simm.s32 @p0 $0x1  }
0x13: {  	[smem:$0x3FAF] =	sst s0;
	s0 =	simm.s32 @!p1 $0x0  }
0x14: {  	s2 =	sld [smem:$0x3F93];
	s0 =	simm.s32 @p1 $0x1  }
0x15: {  	[smem:$0x3FB0] =	sst s0;
	s0 =	simm.s32 @!p2 $0x0  }
0x16: {  	s3 =	sld [smem:$0x3FDB];
	s0 =	simm.s32 @p2 $0x1  }
0x17: {  	s4 =	simm.s32 $0x1BF5;
	[smem:$0x3FB2] =	sst s0  }
0x18: {  	s0 =	sld [smem:$0x3F95];
	_ =	swait.ge [sflag:s4], $0x0  }
0x19: {  	s7 =	sld [smem:$0x3F96]  }
0x1a: {  	s8 =	sadd.s32 $0xFFFFE003, lr  }
0x1b: {  	s9 =	sadd.s32 $0xFFFFFEF7, lr;
	s5 =	simm.s32 $0xFFFFFFFF;
	p2 =	slt.u32 s8, $0xFFFFF086  }
0x1c: {  	p1 =	slt.u32 s9, $0xF7A;
	s5 =	simm.s32 @!p2 $0x0  }
0x1d: {  	s5 =	simm.s32 @p1 $0x1;
	p0 =	seq.s32 s7, s2  }
0x1e: {  	s7 =	smul.u32 @!p0 $0xF7A, s2;
	p2 =	seq.s32 @!p0 s5, $0x0  }
0x1f: {  	s9 =	smul.u32 $0xF7A, s1;
	s8 =	simm.s32 @!p0 $0x1BF5;
	p2 =	por !p2, p0  }
0x20: {  	[sflag:s8] =	ssyncset.s32 @!p0 $0xFFFFF086;
	s6 =	sadd.s32 @!p0 s3, s7;
	s7 =	simm.s32 @!p0 $0x108  }
0x21: {  	s3 =	sadd.s32 s3, s9;
	s6 =	sadd.s32 @!p0 $0x88, s6;
	s7 =	simm.s32 @p2 $0x1082  }
0x22: {  	[simem:s7], [sflag:s8] =	dma.local @!p0 [hbm:s6], $0xF7A  }
0x23: {  	s9 =	sor.u32 $0xD0000000, s2;
	s6 =	simm.s32 $0x108;
	_ =	swait.ge @!p0 [sflag:s8], $0x0  }
0x24: {  	s3 =	sadd.s32 $0x88, s3;
	s6 =	simm.s32 @!p1 $0x1082;
	[sflag:s4] =	ssyncset.s32 $0xFFFFF086  }
0x25: {  	[simem:s6], [sflag:s4] =	dma.local [hbm:s3], $0xF7A  }
0x26: {  	[smem:$0x3F96] =	sst s1;
	(tag) =	ssettag s2;
	_ =	strace s9  }
0x27: {  	s1 =	sld [smem:$0x3FA6]  }
0x28: {  	s2 =	sld [smem:$0x3FA7]  }
0x29: {  	s4 =	sld [smem:$0x3FA9]  }
0x2a: {  	p0 =	seq.s32 s5, $0x0;
	s5 =	sld [smem:$0x3FAA]  }
0x2b: {  	s6 =	sld [smem:$0x3FAB]  }
0x2c: {  	s7 =	sld [smem:$0x3FAC]  }
0x2d: {  	s3 =	simm.s32 $0x108;
	s8 =	sld [smem:$0x3FAD]  }
0x2e: {  	s3 =	simm.s32 @!p0 $0x1082;
	s9 =	sld [smem:$0x3FAE]  }
0x2f: {  	lr =	sadd.s32 s0, s3;
	s0 =	sld [smem:$0x3FA5]  }
0x30: {  	s3 =	sld [smem:$0x3FA8]  }
0x31: {  	[smem:$0x3FB1] =	sst s10  }
0x32: {  	s10 =	sld [smem:$0x3FAF];
	_ =	sdelay $0x3  }
0x33: {  	p0 =	seq.s32 s10, $0x1;
	s10 =	sld [smem:$0x3FB1];
	_ =	sdelay $0x3  }
0x34: {  	[smem:$0x3FB1] =	sst s10  }
0x35: {  	s10 =	sld [smem:$0x3FB0];
	_ =	sdelay $0x3  }
0x36: {  	p1 =	seq.s32 s10, $0x1;
	s10 =	sld [smem:$0x3FB1];
	_ =	sdelay $0x3  }
0x37: {  	[smem:$0x3FB1] =	sst s10  }
0x38: {  	s10 =	sld [smem:$0x3FB2]  }
0x39: {  	_ = 	snop;
	(pc) =	sbr.ind lr, $3  }
0x3a: {  	_ = 	snop  }
0x3b: {  	_ = 	snop  }
0x3c: {  	p2 =	seq.s32 s10, $0x1;
	s10 =	sld [smem:$0x3FB1]  }
0x3d: {  	_ =	shalt  }
0x3e: {  	_ =	shalt  }
0x3f: {  	_ =	shalt  }
0x40: {  	_ =	shalt  }
0x41: {  	_ =	shalt  }
0x42: {  	_ =	shalt  }
0x43: {  	_ =	shalt  }
0x44: {  	_ =	shalt  }
0x45: {  	_ =	shalt  }
0x46: {  	_ =	shalt  }
0x47: {  	_ =	shalt  }
0x48: {  	_ =	shalt  }
0x49: {  	_ =	shalt  }
0x4a: {  	_ =	shalt  }
0x4b: {  	_ =	shalt  }
0x4c: {  	_ =	shalt  }
0x4d: {  	_ =	shalt  }
0x4e: {  	_ =	shalt  }
0x4f: {  	_ =	shalt  }
0x50: {  	_ =	shalt  }
0x51: {  	_ =	shalt  }
0x52: {  	_ =	shalt  }
0x53: {  	_ =	shalt  }
0x54: {  	_ =	shalt  }
0x55: {  	_ =	shalt  }
0x56: {  	_ =	shalt  }
0x57: {  	_ =	shalt  }
0x58: {  	_ =	shalt  }
0x59: {  	_ =	shalt  }
0x5a: {  	_ =	shalt  }
0x5b: {  	_ =	shalt  }
0x5c: {  	_ =	shalt  }
0x5d: {  	_ =	shalt  }
0x5e: {  	_ =	shalt  }
0x5f: {  	_ =	shalt  }
0x60: {  	_ =	shalt  }
0x61: {  	_ =	shalt  }
0x62: {  	_ =	shalt  }
0x63: {  	_ =	shalt  }
0x64: {  	_ =	shalt  }
0x65: {  	_ =	shalt  }
0x66: {  	_ =	shalt  }
0x67: {  	_ =	shalt  }
0x68: {  	_ =	shalt  }
0x69: {  	_ =	shalt  }
0x6a: {  	_ =	shalt  }
0x6b: {  	_ =	shalt  }
0x6c: {  	_ =	shalt  }
0x6d: {  	_ =	shalt  }
0x6e: {  	_ =	shalt  }
0x6f: {  	_ =	shalt  }
0x70: {  	_ =	shalt  }
0x71: {  	_ =	shalt  }
0x72: {  	_ =	shalt  }
0x73: {  	_ =	shalt  }
0x74: {  	_ =	shalt  }
0x75: {  	_ =	shalt  }
0x76: {  	_ =	shalt  }
0x77: {  	_ =	shalt  }
0x78: {  	_ =	shalt  }
0x79: {  	_ =	shalt  }
0x7a: {  	_ =	shalt  }
0x7b: {  	_ =	shalt  }
0x7c: {  	_ =	shalt  }
0x7d: {  	_ =	shalt  }
0x7e: {  	_ =	shalt  }
0x7f: {  	_ =	shalt  }
0x80: {  	_ =	shalt  }
0x81: {  	_ =	shalt  }
0x82: {  	_ =	shalt  }
0x83: {  	_ =	shalt  }
0x84: {  	_ =	shalt  }
0x85: {  	_ =	shalt  }
0x86: {  	_ =	shalt  }
0x87: {  	_ =	shalt  }
.Lfunc_end0:
.L_simem_size_0:
called_computation.1_lowered:
.L_overlay_start_0:
0x88: {  	s2 =	sld [smem:$0x3FD9]  }
0x89: {  	s3 =	sld [smem:$0x3FFE];
	_ =	sdelay $0x1  }
0x8a: {  	s1 =	srdreg.scid  }
0x8b: {  	s0 =	sand.u32 $0x1, s1  }
0x8c: {  	s14 =	sshll.u32 s0, $0xA;
	s2 =	sadd.s32 s3, s2  }
0x8d: {  	s2 =	sadd.s32 s2, s14  }
0x8e: {  	[smem:$0x3FBD] =	sst s2  }
0x8f: {  	_ = 	snop  }
0x90: {  	s2 =	sld [smem:$0x3FD0];
	_ =	sdelay $0x2  }
0x91: {  	s15 =	simm.s32 $0xA;
	s4 =	simm.s32 $0x10  }
0x92: {  	[smem:s4], [sflag:s15] =	dma.local [hbm:s2], $0x1  }
0x93: {  	_ =	swait.eq [sflag:s15], $0x1  }
0x94: {  	[sflag:s15] =	ssyncset.done $0x0  }
0x95: {  	[sflag:s15] =	ssyncadd.s32 $0xFFFFFFFF  }
0x96: {  	s16 =	sld [smem:$0x11];
	(tm) =	ssettm $0x1  }
0x97: {  	s17 =	sld [smem:$0x3FFB];
	_ =	sdelay $0x3  }
0x98: {  	_ =	strace s17  }
0x99: {  	s3 =	sld [smem:$0x3FFC];
	_ =	sdelay $0x3  }
0x9a: {  	_ =	strace s3  }
0x9b: {  	s3 =	sld [smem:$0x3FFD];
	_ =	sdelay $0x3  }
0x9c: {  	_ =	strace s3  }
0x9d: {  	_ =	strace $0x8FFFFFFF  }
0x9e: {  	s18 =	sld [smem:$0x3FDB];
	_ =	sdelay $0x1  }
0x9f: {  	s19 =	simm.s32 $_scs_section_size  }
0xa0: {  	s5 =	simm.s32 $_size__tile_overlayer_lowered;
	s6 =	simm.s32 $_tile_overlayer_lowered  }
0xa1: {  	s22 =	simm.s32 $0x1BFF;
	s21 =	sshll.u32 s6, $0x1;
	s3 =	sadd.s32 s19, s18  }
0xa2: {  	s7 =	simm.s32 $0x0;
	s20 =	sshll.u32 s5, $0x1;
	s5 =	sadd.s32 s21, s3  }
0xa3: {  	[timem:s7], [sflag:s22] =	dma.local [hbm:s5], s20  }
0xa4: {  	_ =	swait.ge [sflag:s22], s20  }
0xa5: {  	s4 =	ssub.s32 $0x0, s20;
	[sflag:s22] =	ssyncset.done $0x0  }
0xa6: {  	[sflag:s22] =	ssyncadd.s32 s4;
	_ =	sdelay $0x1  }
0xa7: {  	s23 =	simm.s32 $0x1B8B  }
0xa8: {  	_ =	swait.ge [sflag:s23], $0x1  }
0xa9: {  	[sflag:s23] =	ssyncset.done $0x0  }
0xaa: {  	s25 =	simm.s32 $0x1B8E;
	s24 =	sld [smem:$0x3FFE];
	[sflag:s23] =	ssyncadd.s32 $0xFFFFFFFF  }
0xab: {  	s26 =	simm.s32 $execute0_lowered;
	[smem:$0x3FD2] =	sst s25  }
0xac: {  	s5 =	sshll.u32 s26, $0x1;
	_ =	strace $0x80000049;
	[dreg:$0x1] =	wrdreg $0xFFFFFFFF  }
0xad: {  	s28 =	simm.s32 $_size_execute0_lowered;
	s3 =	sadd.s32 s3, s5;
	[dreg:$0x0] =	wrdreg $0x0  }
0xae: {  	s5 =	sshll.u32 s28, $0x1;
	[dreg:$0x2] =	wrdreg s3  }
0xaf: {  	[dreg:$0x3] =	wrdreg s5  }
0xb0: {  	[dreg:$0x4] =	wrdreg $0xC0  }
0xb1: {  	_ =	task [dreg:s7], $0x5FFFF  }
0xb2: {  	[dreg:$0x1] =	wrdreg $0xFFFFFFFF  }
0xb3: {  	[dreg:$0x0] =	wrdreg $0x60  }
0xb4: {  	[dreg:$0x2] =	wrdreg s16  }
0xb5: {  	[dreg:$0x3] =	wrdreg s24  }
0xb6: {  	[dreg:$0x4] =	wrdreg $0x51000  }
0xb7: {  	[dreg:$0x5] =	wrdreg $0x9  }
0xb8: {  	_ =	task.clear_ibuf [dreg:s7], $0x6FFFF;
	_ =	strace $0x90000049  }
0xb9: {  	s29 =	simm.s32 $0x9;
	_ =	strace $0x8000004B  }
0xba: {  	_ =	swait.ge [sflag:s29], $0x1  }
0xbb: {  	[sflag:s29] =	ssyncadd.s32 $0xFFFFFFFF  }
0xbc: {  	_ =	strace $0x9000004B  }
0xbd: {  	_ =	sfence  }
0xbe: {  	s30 =	sld [smem:$0x0];
	_ =	sdelay $0x2  }
0xbf: {  	s31 =	sshll.u32 s1, $0xD;
	s1 =	sshrl.u32 s1, $0x2  }
0xc0: {  	s3 =	sand.u32 $0x4000, s31;
	s1 =	sadd.s32 s1, s30  }
0xc1: {  	s0 =	sor.u32 s3, s0;
	s1 =	sshll.u32 s1, $0x11  }
0xc2: {  	s0 =	sor.u32 s1, s0  }
0xc3: {  	s0 =	sadd.s32 $0x8F2B, s0  }
0xc4: {  	[sflag:s0] =	ssyncadd.remote.s32 $0x1  }
0xc5: {  	_ =	sfence.sel $0xFFFF  }
0xc6: {  	[dreg:$0x0] =	wrdreg $0xFFFFFFFF;
	(pc) =	sbr.abs _section_cstart, $3  }
0xc7: {  	[dreg:$0x1] =	wrdreg $0xFFFFFFFF  }
0xc8: {  	_ =	task.clear_ibuf [dreg:s7], $0x2FFFF;
	_ =	strace $0x9FFFFFFF  }
0xc9: {  	(tm) =	ssettm $0x7FFFFFFF  }
tec
execute0_lowered:
.L_overlay_start_1:
0x0: {  	(tag) =	ssettag $0x1  }
0x1: {  	s1 =	rddreg [dreg:$0x0]  }
0x2: {  	s0 =	rddreg [dreg:$0x1]  }
0x3: {  	s2 =	rddreg [dreg:$0x2];
	s3 =	srdreg.scid;
	s4 =	simm.s32 $0x0  }
0x4: {  	s15 =	stileid.u32;
	s28 =	simm.s32 $0x100;
	s29 =	simm.s32 $0x2  }
0x5: {  	s30 =	simm.s32 $0x80;
	s31 =	simm.s32 $0x2900;
	s3 =	sand.u32 $0x1, s3  }
0x6: {  	[smem:$0x7FF] =	sst s4;
	s8 =	smul.u32 $0x14000, s15;
	s6 =	ssub.s32 $0x2, s3  }
0x7: {  	s9 =	sadd.s32 $0x64800, s0;
	s11 =	smul.u32 $0x140000, s3;
	s7 =	sshrl.u32 s6, $0x1  }
0x8: {  	s18 =	sor.u32 $0x2800, s8;
	s19 =	sadd.s32 $0x5000, s8;
	s20 =	sadd.s32 $0x7800, s8  }
0x9: {  	s21 =	sadd.s32 $0xA000, s8;
	s22 =	sadd.s32 $0xC800, s8;
	s23 =	sadd.s32 $0xF000, s8  }
0xa: {  	s6 =	ssub.s32 s6, s7;
	s7 =	smul.u32 $0x50000, s15;
	s10 =	sadd.s32 s8, s11  }
0xb: {  	s12 =	sadd.s32 s11, s18;
	s8 =	sadd.s32 $0x11800, s8;
	s25 =	sadd.s32 s11, s19  }
0xc: {  	s26 =	sadd.s32 s11, s20;
	s13 =	sadd.s32 s11, s21;
	s16 =	sadd.s32 s11, s22  }
0xd: {  	s17 =	sadd.s32 s11, s23;
	s10 =	sshrl.u32 s10, $0x3;
	s12 =	sshrl.u32 s12, $0x3  }
0xe: {  	s13 =	sshrl.u32 s13, $0x3;
	s10 =	sadd.s32 s9, s10;
	s24 =	sadd.s32 s9, s12  }
0xf: {  	s12 =	sshrl.u32 s26, $0x3;
	s14 =	sadd.s32 s9, s13;
	[dreg:$0x4] =	wrdreg s10  }
0x10: {  	s26 =	smul.u32 $0x4E20, s15;
	[dreg:$0x5] =	wrdreg s24;
	s10 =	sshrl.u32 s25, $0x3  }
0x11: {  	[dreg:$0x8] =	wrdreg s14;
	s14 =	sadd.s32 s11, s8;
	s10 =	sadd.s32 s9, s10  }
0x12: {  	s24 =	sshrl.u32 s17, $0x3;
	s25 =	sshrl.u32 s14, $0x3;
	[dreg:$0x6] =	wrdreg s10  }
0x13: {  	s10 =	sadd.s32 s9, s12;
	s12 =	sshrl.u32 s16, $0x3;
	s13 =	sadd.s32 s9, s25  }
0x14: {  	s11 =	sadd.s32 s9, s12;
	s12 =	sadd.s32 s9, s24;
	s9 =	sshll.u32 s3, $0x8  }
0x15: {  	s15 =	sadd.s32 $0x2400, s0;
	s14 =	sadd.s32 $0x50E00, s0;
	s0 =	ssub.s32 $0x0, s9  }
0x16: {  	s5 =	smul.u32 $0x4E200, s3;
	s18 =	sadd.s32 s18, s2;
	s0 =	sshra.s32 s0, $0x2  }
0x17: {  	[dreg:$0x7] =	wrdreg s10;
	s10 =	sadd.s32 $0x100, s0;
	s0 =	sadd.s32 $0x2900, s0  }
0x18: {  	s19 =	sadd.s32 s19, s2;
	s20 =	sadd.s32 s20, s2;
	s21 =	sadd.s32 s21, s2;
	v1 =	vmov s0  }
0x19: {  	s22 =	sadd.s32 s22, s2;
	s23 =	sadd.s32 s23, s2;
	s7 =	sshrl.u32 s7, $0x2  }
0x1a: {  	s17 =	sadd.s32 s7, s2;
	s16 =	sadd.s32 s26, s5;
	s25 =	smax.u32 s6, $0x1  }
0x1b: {  	s6 =	simm.s32 $0x0;
	s24 =	sadd.s32 s8, s2;
	s26 =	sadd.s32 $0x50, s16  }
0x1c: {  	v2 =	vimm.f32 $1.000000000e+00;
	s3 =	simm.s32 $0x1;
	_ =	strace $0x8000004A;
	v0 =	vmov s10;
	s0 =	simm.s32 $0x50  }
.LBB2_1:
0x1d: {  	[tilespmem:s28], [sflag:$0x2] =	stream.linear.gather [hbm4b:s15+s4], $0x2800, $0x38;
	[tilespmem:$0x19100] =	vst v63  }
0x1e: {  	_ =	swait.ge [sflag:s29], $0x2800  }
0x1f: {  	[sflag:s29] =	ssyncset.done $0x0  }
0x20: {  	[sflag:s29] =	ssyncadd.s32 $0xFFFFD800  }
0x21: {  	[spmem:s17] =	stream.linear.scatter [tilespmem:s28], [sflag:$0x2], $0x2800, $0x38;
	[tilespmem:$0x19100] =	vst v63  }
0x22: {  	_ =	swait.ge [sflag:s29], $0x2800  }
0x23: {  	[sflag:s29] =	ssyncset.done $0x0  }
0x24: {  	[sflag:s29] =	ssyncadd.s32 $0xFFFFD800  }
0x25: {  	[spmem:s18] =	stream.linear.scatter [tilespmem:s28], [sflag:$0x2], $0x2800, $0x38;
	[tilespmem:$0x19100] =	vst v63  }
0x26: {  	_ =	swait.ge [sflag:s29], $0x2800  }
0x27: {  	[sflag:s29] =	ssyncset.done $0x0  }
0x28: {  	[sflag:s29] =	ssyncadd.s32 $0xFFFFD800  }
0x29: {  	[spmem:s19] =	stream.linear.scatter [tilespmem:s28], [sflag:$0x2], $0x2800, $0x38;
	[tilespmem:$0x19100] =	vst v63  }
0x2a: {  	_ =	swait.ge [sflag:s29], $0x2800  }
0x2b: {  	[sflag:s29] =	ssyncset.done $0x0  }
0x2c: {  	[sflag:s29] =	ssyncadd.s32 $0xFFFFD800  }
0x2d: {  	[spmem:s20] =	stream.linear.scatter [tilespmem:s28], [sflag:$0x2], $0x2800, $0x38;
	[tilespmem:$0x19100] =	vst v63  }
0x2e: {  	_ =	swait.ge [sflag:s29], $0x2800  }
0x2f: {  	[sflag:s29] =	ssyncset.done $0x0  }
0x30: {  	[sflag:s29] =	ssyncadd.s32 $0xFFFFD800  }
0x31: {  	[spmem:s21] =	stream.linear.scatter [tilespmem:s28], [sflag:$0x2], $0x2800, $0x38;
	[tilespmem:$0x19100] =	vst v63  }
0x32: {  	_ =	swait.ge [sflag:s29], $0x2800  }
0x33: {  	[sflag:s29] =	ssyncset.done $0x0  }
0x34: {  	[sflag:s29] =	ssyncadd.s32 $0xFFFFD800  }
0x35: {  	[spmem:s22] =	stream.linear.scatter [tilespmem:s28], [sflag:$0x2], $0x2800, $0x38;
	[tilespmem:$0x19100] =	vst v63  }
0x36: {  	_ =	swait.ge [sflag:s29], $0x2800  }
0x37: {  	[sflag:s29] =	ssyncset.done $0x0  }
0x38: {  	[sflag:s29] =	ssyncadd.s32 $0xFFFFD800  }
0x39: {  	[spmem:s23] =	stream.linear.scatter [tilespmem:s28], [sflag:$0x2], $0x2800, $0x38;
	[tilespmem:$0x19100] =	vst v63  }
0x3a: {  	_ =	swait.ge [sflag:s29], $0x2800  }
0x3b: {  	[sflag:s29] =	ssyncset.done $0x0  }
0x3c: {  	[sflag:s29] =	ssyncadd.s32 $0xFFFFD800  }
0x3d: {  	[spmem:s24] =	stream.linear.scatter [tilespmem:s28], [sflag:$0x2], $0x2800, $0x38;
	[tilespmem:$0x19100] =	vst v63  }
0x3e: {  	_ =	swait.ge [sflag:s29], $0x2800  }
0x3f: {  	[sflag:s29] =	ssyncset.done $0x0  }
0x40: {  	[sflag:s29] =	ssyncadd.s32 $0xFFFFD800  }
0x41: {  	s7 =	simm.s32 $0x0;
	[bflag:$0x0] =	sbarrier.arrive $0xFFFF  }
.LBB2_2:
0x42: {  	s8 =	smul.u32 $0xA0, s7;
	_ =	sdelay $0x1  }
0x43: {  	s9 =	sadd.s32 s16, s8  }
0x44: {  	s10 =	sshrl.u32 s9, $0x3  }
0x45: {  	s10 =	sadd.s32 s14, s10  }
0x46: {  	[tilespmem:s4], [sflag:$0x2] =	stream.linear.gather [hbm4b:s10+s4], $0x50, $0x38;
	[tilespmem:$0x19100] =	vst v63  }
0x47: {  	s9 =	ssub.s32 s9, s5;
	_ =	swait.ge [sflag:s29], $0x50  }
0x48: {  	s9 =	sshll.u32 s9, $0x4;
	[sflag:s29] =	ssyncset.done $0x0  }
0x49: {  	s9 =	sadd.s32 s1, s9;
	s10 =	simm.s32 $0x100;
	[sflag:s29] =	ssyncadd.s32 $0xFFFFFFB0  }
0x4a: {  	[tilespmem:s10], [sflag:$0x2] =	stream.linear.gather [hbm4b:s9+s4], $0x2800, $0x38;
	[tilespmem:$0x19100] =	vst v63  }
0x4b: {  	s8 =	sadd.s32 s8, s26;
	_ =	swait.ge [sflag:s29], $0x2800  }
0x4c: {  	s10 =	sshrl.u32 s8, $0x3;
	[sflag:s29] =	ssyncset.done $0x0  }
0x4d: {  	s9 =	sadd.s32 s14, s10;
	[sflag:s29] =	ssyncadd.s32 $0xFFFFD800  }
0x4e: {  	[tilespmem:s30], [sflag:$0x2] =	stream.linear.gather [hbm4b:s9+s4], $0x50, $0x38;
	[tilespmem:$0x19100] =	vst v63  }
0x4f: {  	s8 =	ssub.s32 s8, s5;
	_ =	swait.ge [sflag:s29], $0x50  }
0x50: {  	s8 =	sshll.u32 s8, $0x4;
	[sflag:s29] =	ssyncset.done $0x0  }
0x51: {  	s8 =	sadd.s32 s1, s8;
	[sflag:s29] =	ssyncadd.s32 $0xFFFFFFB0  }
0x52: {  	[tilespmem:s31], [sflag:$0x2] =	stream.linear.gather [hbm4b:s8+s4], $0x2800, $0x38;
	[tilespmem:$0x19100] =	vst v63  }
0x53: {  	_ =	swait.ge [sflag:s29], $0x2800  }
0x54: {  	[sflag:s29] =	ssyncset.done $0x0  }
0x55: {  	s9 =	simm.s32 $0x40;
	[sflag:s29] =	ssyncadd.s32 $0xFFFFD800  }
0x56: {  	s8 =	simm.s32 $0x300;
	[tilespmem:v0+s9+$0x0 ss:$0x1] =	vst.idx.msk $0xffff, v2  }
.LBB2_3:
0x57: {  	p0 =	sne.s32 s8, $0x9F00;
	[tilespmem:v1+s9+$0x0 ss:$0x1] =	vst.idx.msk $0xffff, v2;
	s9 =	smov.u32 s8;
	s8 =	sadd.s32 $0x200, s8  }
.Ltmp0:
0x58: {  	(pc) =	sbr.rel @p0 .LBB2_3-.Ltmp0, $3  }
0x59: {  	_ =	sdelay $0x1  }
0x5a: {  	s9 =	sshra.s32 s9, $0x2  }
0x5b: {  	[tilespmem:v0+s9+$0x0 ss:$0x1] =	vst.idx.msk $0xffff, v2  }
0x5c: {  	_ =	sdelay $0x3  }
0x5d: {  	[tilespmem:v1+s9+$0x0 ss:$0x1] =	vst.idx.msk $0xffff, v2  }
0x5e: {  	[spmem:s2] =	stream.indirect.scatter.add.f32 [tilespmem:s28], [sflag:$0x1], $0x80, s4, s0, $0xb8;
	[tilespmem:$0x19100] =	vst v63  }
0x5f: {  	s7 =	sadd.s32 $0x1, s7  }
0x60: {  	[spmem:s2] =	stream.indirect.scatter.add.f32 [tilespmem:s31], [sflag:$0x1], $0x80, s30, s0, $0xb8;
	[tilespmem:$0x19100] =	vst v63  }
0x61: {  	p0 =	sne.s32 s7, $0x7D;
	_ =	swait.ge [sflag:s3], $0x2800  }
.Ltmp1:
0x62: {  	[sflag:s3] =	ssyncset.done $0x0;
	(pc) =	sbr.rel @p0 .LBB2_2-.Ltmp1, $4  }
0x63: {  	[sflag:s3] =	ssyncadd.s32 $0xFFFFD800  }
0x64: {  	_ =	swait.ge [sflag:s3], $0x2800  }
0x65: {  	[sflag:s3] =	ssyncset.done $0x0  }
0x66: {  	[sflag:s3] =	ssyncadd.s32 $0xFFFFD800  }
0x67: {  	[bflag:$0x0] =	sbarrier.arrive $0xFFFF  }
0x68: {  	[tilespmem:s28], [sflag:$0x2] =	stream.linear.gather [spmem:s17], $0x2800, $0x38;
	[tilespmem:$0x19100] =	vst v63  }
0x69: {  	_ =	swait.ge [sflag:s29], $0x2800  }
0x6a: {  	[sflag:s29] =	ssyncset.done $0x0  }
0x6b: {  	s7 =	rddreg [dreg:$0x4];
	[sflag:s29] =	ssyncadd.s32 $0xFFFFD800  }
0x6c: {  	[hbm4b:s7+s4] =	stream.linear.scatter [tilespmem:s28], [sflag:$0x2], $0x2800, $0x38;
	[tilespmem:$0x19100] =	vst v63  }
0x6d: {  	_ =	swait.ge [sflag:s29], $0x2800  }
0x6e: {  	[sflag:s29] =	ssyncset.done $0x0  }
0x6f: {  	[sflag:s29] =	ssyncadd.s32 $0xFFFFD800  }
0x70: {  	[tilespmem:s28], [sflag:$0x2] =	stream.linear.gather [spmem:s18], $0x2800, $0x38;
	[tilespmem:$0x19100] =	vst v63  }
0x71: {  	_ =	swait.ge [sflag:s29], $0x2800  }
0x72: {  	[sflag:s29] =	ssyncset.done $0x0  }
0x73: {  	s10 =	rddreg [dreg:$0x5];
	[sflag:s29] =	ssyncadd.s32 $0xFFFFD800  }
0x74: {  	[hbm4b:s10+s4] =	stream.linear.scatter [tilespmem:s28], [sflag:$0x2], $0x2800, $0x38;
	[tilespmem:$0x19100] =	vst v63  }
0x75: {  	_ =	swait.ge [sflag:s29], $0x2800  }
0x76: {  	[sflag:s29] =	ssyncset.done $0x0  }
0x77: {  	[sflag:s29] =	ssyncadd.s32 $0xFFFFD800  }
0x78: {  	[tilespmem:s28], [sflag:$0x2] =	stream.linear.gather [spmem:s19], $0x2800, $0x38;
	[tilespmem:$0x19100] =	vst v63  }
0x79: {  	_ =	swait.ge [sflag:s29], $0x2800  }
0x7a: {  	[sflag:s29] =	ssyncset.done $0x0  }
0x7b: {  	s8 =	rddreg [dreg:$0x6];
	[sflag:s29] =	ssyncadd.s32 $0xFFFFD800  }
0x7c: {  	[hbm4b:s8+s4] =	stream.linear.scatter [tilespmem:s28], [sflag:$0x2], $0x2800, $0x38;
	[tilespmem:$0x19100] =	vst v63  }
0x7d: {  	_ =	swait.ge [sflag:s29], $0x2800  }
0x7e: {  	[sflag:s29] =	ssyncset.done $0x0  }
0x7f: {  	[sflag:s29] =	ssyncadd.s32 $0xFFFFD800  }
0x80: {  	[tilespmem:s28], [sflag:$0x2] =	stream.linear.gather [spmem:s20], $0x2800, $0x38;
	[tilespmem:$0x19100] =	vst v63  }
0x81: {  	_ =	swait.ge [sflag:s29], $0x2800  }
0x82: {  	[sflag:s29] =	ssyncset.done $0x0  }
0x83: {  	s9 =	rddreg [dreg:$0x7];
	[sflag:s29] =	ssyncadd.s32 $0xFFFFD800  }
0x84: {  	[hbm4b:s9+s4] =	stream.linear.scatter [tilespmem:s28], [sflag:$0x2], $0x2800, $0x38;
	[tilespmem:$0x19100] =	vst v63  }
0x85: {  	_ =	swait.ge [sflag:s29], $0x2800  }
0x86: {  	[sflag:s29] =	ssyncset.done $0x0  }
0x87: {  	[sflag:s29] =	ssyncadd.s32 $0xFFFFD800  }
0x88: {  	[tilespmem:s28], [sflag:$0x2] =	stream.linear.gather [spmem:s21], $0x2800, $0x38;
	[tilespmem:$0x19100] =	vst v63  }
0x89: {  	_ =	swait.ge [sflag:s29], $0x2800  }
0x8a: {  	[sflag:s29] =	ssyncset.done $0x0  }
0x8b: {  	s10 =	rddreg [dreg:$0x8];
	[sflag:s29] =	ssyncadd.s32 $0xFFFFD800  }
0x8c: {  	[hbm4b:s10+s4] =	stream.linear.scatter [tilespmem:s28], [sflag:$0x2], $0x2800, $0x38;
	[tilespmem:$0x19100] =	vst v63  }
0x8d: {  	_ =	swait.ge [sflag:s29], $0x2800  }
0x8e: {  	[sflag:s29] =	ssyncset.done $0x0  }
0x8f: {  	[sflag:s29] =	ssyncadd.s32 $0xFFFFD800  }
0x90: {  	[tilespmem:s28], [sflag:$0x2] =	stream.linear.gather [spmem:s22], $0x2800, $0x38;
	[tilespmem:$0x19100] =	vst v63  }
0x91: {  	_ =	swait.ge [sflag:s29], $0x2800  }
0x92: {  	[sflag:s29] =	ssyncset.done $0x0  }
0x93: {  	[sflag:s29] =	ssyncadd.s32 $0xFFFFD800  }
0x94: {  	[hbm4b:s11+s4] =	stream.linear.scatter [tilespmem:s28], [sflag:$0x2], $0x2800, $0x38;
	[tilespmem:$0x19100] =	vst v63  }
0x95: {  	_ =	swait.ge [sflag:s29], $0x2800  }
0x96: {  	[sflag:s29] =	ssyncset.done $0x0  }
0x97: {  	[sflag:s29] =	ssyncadd.s32 $0xFFFFD800  }
0x98: {  	[tilespmem:s28], [sflag:$0x2] =	stream.linear.gather [spmem:s23], $0x2800, $0x38;
	[tilespmem:$0x19100] =	vst v63  }
0x99: {  	_ =	swait.ge [sflag:s29], $0x2800  }
0x9a: {  	[sflag:s29] =	ssyncset.done $0x0  }
0x9b: {  	[sflag:s29] =	ssyncadd.s32 $0xFFFFD800  }
0x9c: {  	[hbm4b:s12+s4] =	stream.linear.scatter [tilespmem:s28], [sflag:$0x2], $0x2800, $0x38;
	[tilespmem:$0x19100] =	vst v63  }
0x9d: {  	_ =	swait.ge [sflag:s29], $0x2800  }
0x9e: {  	[sflag:s29] =	ssyncset.done $0x0  }
0x9f: {  	[sflag:s29] =	ssyncadd.s32 $0xFFFFD800  }
0xa0: {  	[tilespmem:s28], [sflag:$0x2] =	stream.linear.gather [spmem:s24], $0x2800, $0x38;
	[tilespmem:$0x19100] =	vst v63  }
0xa1: {  	s6 =	sadd.s32 $0x1, s6;
	_ =	swait.ge [sflag:s29], $0x2800  }
0xa2: {  	p0 =	sne.s32 s6, s25;
	[sflag:s29] =	ssyncset.done $0x0  }
.Ltmp2:
0xa3: {  	[sflag:s29] =	ssyncadd.s32 $0xFFFFD800;
	(pc) =	sbr.rel @p0 .LBB2_1-.Ltmp2, $4  }
0xa4: {  	[hbm4b:s13+s4] =	stream.linear.scatter [tilespmem:s28], [sflag:$0x2], $0x2800, $0x38;
	[tilespmem:$0x19100] =	vst v63  }
0xa5: {  	_ =	swait.ge [sflag:s29], $0x2800  }
0xa6: {  	[sflag:s29] =	ssyncset.done $0x0  }
0xa7: {  	[sflag:s29] =	ssyncadd.s32 $0xFFFFD800  }
0xa8: {  	_ =	sfence.sel $0x180000  }
0xa9: {  	[bflag:$0x0] =	sbarrier.arrive $0xFFFF  }
0xaa: {  	_ =	strace $0x9000004A  }
0xab: {  	s0 =	stileid.u32;
	[bflag:$0x2] =	sbarrier.arrive $0xFFFF  }
0xac: {  	p0 =	sne.s32 s0, $0x0;
	s0 =	rddreg [dreg:$0x3]  }
0xad: {  	s0 =	sadd.s32 @!p0 $0x100000, s0  }
0xae: {  	[sflag:s0] =	ssyncadd.tile.s32 @!p0 $0x1;
	_ =	shalt  }
.Lfunc_end2:
_tile_overlayer_lowered:
.L_overlay_start_2:
0xaf: {  	(tag) =	ssettag $0x2  }
0xb0: {  	s0 =	rddreg [dreg:$0x0];
	s2 =	stileid.u32  }
0xb1: {  	s1 =	rddreg [dreg:$0x1];
	p0 =	sne.s32 s2, $0x0  }
0xb2: {  	s3 =	rddreg [dreg:$0x2];
	[bflag:$0x3] =	sbarrier.arrive $0xFFFF;
	s2 =	simm.s32 @!p0 $0x1C02  }
0xb3: {  	[timem:s3], [sflag:s2] =	dma.local @!p0 [hbm:s0], s1  }
0xb4: {  	s0 =	simm.s32 @!p0 $0x2  }
0xb5: {  	_ =	swait.ge @!p0 [sflag:s0], s1  }
0xb6: {  	s1 =	ssub.s32 @!p0 $0x0, s1;
	[sflag:s0] =	ssyncset.done @!p0 $0x0  }
0xb7: {  	[sflag:s0] =	ssyncadd.s32 @!p0 s1  }
0xb8: {  	[bflag:$0x3] =	sbarrier.arrive $0xFFFF  }
0xb9: {  	_ =	shalt  }

// kernel: kernel.7.cloned.1.call-start
scs
__scs_entry_jumppad:
0x0: {  	(pc) =	sbr.rel $0x88, $3  }
0x1: {  	(tag) =	ssettag $0x0;
	lr =	simm.s32 $0x1  }
0x2: {  	[smem:$0x3F96] =	sst lr;
	_ =	strace $0xD0000000  }
0x3: {  	_ = 	snop  }
0x4: {  	_ = 	snop  }
0x5: {  	_ = 	snop  }
0x6: {  	_ = 	snop  }
0x7: {  	_ = 	snop  }
__scs_overlays_trampoline_lowered:
0x8: {  	[smem:$0x3FA5] =	sst s0  }
0x9: {  	[smem:$0x3FA6] =	sst s1  }
0xa: {  	[smem:$0x3FA7] =	sst s2  }
0xb: {  	[smem:$0x3FA8] =	sst s3  }
0xc: {  	[smem:$0x3FA9] =	sst s4  }
0xd: {  	[smem:$0x3FAA] =	sst s5  }
0xe: {  	[smem:$0x3FAB] =	sst s6  }
0xf: {  	[smem:$0x3FAC] =	sst s7  }
0x10: {  	[smem:$0x3FAD] =	sst s8  }
0x11: {  	[smem:$0x3FAE] =	sst s9;
	s0 =	simm.s32 @!p0 $0x0  }
0x12: {  	s1 =	sld [smem:$0x3F94];
	s0 =	simm.s32 @p0 $0x1  }
0x13: {  	[smem:$0x3FAF] =	sst s0;
	s0 =	simm.s32 @!p1 $0x0  }
0x14: {  	s2 =	sld [smem:$0x3F93];
	s0 =	simm.s32 @p1 $0x1  }
0x15: {  	[smem:$0x3FB0] =	sst s0;
	s0 =	simm.s32 @!p2 $0x0  }
0x16: {  	s3 =	sld [smem:$0x3FDB];
	s0 =	simm.s32 @p2 $0x1  }
0x17: {  	s4 =	simm.s32 $0x1BF5;
	[smem:$0x3FB2] =	sst s0  }
0x18: {  	s0 =	sld [smem:$0x3F95];
	_ =	swait.ge [sflag:s4], $0x0  }
0x19: {  	s7 =	sld [smem:$0x3F96]  }
0x1a: {  	s8 =	sadd.s32 $0xFFFFE003, lr  }
0x1b: {  	s9 =	sadd.s32 $0xFFFFFEF7, lr;
	s5 =	simm.s32 $0xFFFFFFFF;
	p2 =	slt.u32 s8, $0xFFFFF086  }
0x1c: {  	p1 =	slt.u32 s9, $0xF7A;
	s5 =	simm.s32 @!p2 $0x0  }
0x1d: {  	s5 =	simm.s32 @p1 $0x1;
	p0 =	seq.s32 s7, s2  }
0x1e: {  	s7 =	smul.u32 @!p0 $0xF7A, s2;
	p2 =	seq.s32 @!p0 s5, $0x0  }
0x1f: {  	s9 =	smul.u32 $0xF7A, s1;
	s8 =	simm.s32 @!p0 $0x1BF5;
	p2 =	por !p2, p0  }
0x20: {  	[sflag:s8] =	ssyncset.s32 @!p0 $0xFFFFF086;
	s6 =	sadd.s32 @!p0 s3, s7;
	s7 =	simm.s32 @!p0 $0x108  }
0x21: {  	s3 =	sadd.s32 s3, s9;
	s6 =	sadd.s32 @!p0 $0x88, s6;
	s7 =	simm.s32 @p2 $0x1082  }
0x22: {  	[simem:s7], [sflag:s8] =	dma.local @!p0 [hbm:s6], $0xF7A  }
0x23: {  	s9 =	sor.u32 $0xD0000000, s2;
	s6 =	simm.s32 $0x108;
	_ =	swait.ge @!p0 [sflag:s8], $0x0  }
0x24: {  	s3 =	sadd.s32 $0x88, s3;
	s6 =	simm.s32 @!p1 $0x1082;
	[sflag:s4] =	ssyncset.s32 $0xFFFFF086  }
0x25: {  	[simem:s6], [sflag:s4] =	dma.local [hbm:s3], $0xF7A  }
0x26: {  	[smem:$0x3F96] =	sst s1;
	(tag) =	ssettag s2;
	_ =	strace s9  }
0x27: {  	s1 =	sld [smem:$0x3FA6]  }
0x28: {  	s2 =	sld [smem:$0x3FA7]  }
0x29: {  	s4 =	sld [smem:$0x3FA9]  }
0x2a: {  	p0 =	seq.s32 s5, $0x0;
	s5 =	sld [smem:$0x3FAA]  }
0x2b: {  	s6 =	sld [smem:$0x3FAB]  }
0x2c: {  	s7 =	sld [smem:$0x3FAC]  }
0x2d: {  	s3 =	simm.s32 $0x108;
	s8 =	sld [smem:$0x3FAD]  }
0x2e: {  	s3 =	simm.s32 @!p0 $0x1082;
	s9 =	sld [smem:$0x3FAE]  }
0x2f: {  	lr =	sadd.s32 s0, s3;
	s0 =	sld [smem:$0x3FA5]  }
0x30: {  	s3 =	sld [smem:$0x3FA8]  }
0x31: {  	[smem:$0x3FB1] =	sst s10  }
0x32: {  	s10 =	sld [smem:$0x3FAF];
	_ =	sdelay $0x3  }
0x33: {  	p0 =	seq.s32 s10, $0x1;
	s10 =	sld [smem:$0x3FB1];
	_ =	sdelay $0x3  }
0x34: {  	[smem:$0x3FB1] =	sst s10  }
0x35: {  	s10 =	sld [smem:$0x3FB0];
	_ =	sdelay $0x3  }
0x36: {  	p1 =	seq.s32 s10, $0x1;
	s10 =	sld [smem:$0x3FB1];
	_ =	sdelay $0x3  }
0x37: {  	[smem:$0x3FB1] =	sst s10  }
0x38: {  	s10 =	sld [smem:$0x3FB2]  }
0x39: {  	_ = 	snop;
	(pc) =	sbr.ind lr, $3  }
0x3a: {  	_ = 	snop  }
0x3b: {  	_ = 	snop  }
0x3c: {  	p2 =	seq.s32 s10, $0x1;
	s10 =	sld [smem:$0x3FB1]  }
0x3d: {  	_ =	shalt  }
0x3e: {  	_ =	shalt  }
0x3f: {  	_ =	shalt  }
0x40: {  	_ =	shalt  }
0x41: {  	_ =	shalt  }
0x42: {  	_ =	shalt  }
0x43: {  	_ =	shalt  }
0x44: {  	_ =	shalt  }
0x45: {  	_ =	shalt  }
0x46: {  	_ =	shalt  }
0x47: {  	_ =	shalt  }
0x48: {  	_ =	shalt  }
0x49: {  	_ =	shalt  }
0x4a: {  	_ =	shalt  }
0x4b: {  	_ =	shalt  }
0x4c: {  	_ =	shalt  }
0x4d: {  	_ =	shalt  }
0x4e: {  	_ =	shalt  }
0x4f: {  	_ =	shalt  }
0x50: {  	_ =	shalt  }
0x51: {  	_ =	shalt  }
0x52: {  	_ =	shalt  }
0x53: {  	_ =	shalt  }
0x54: {  	_ =	shalt  }
0x55: {  	_ =	shalt  }
0x56: {  	_ =	shalt  }
0x57: {  	_ =	shalt  }
0x58: {  	_ =	shalt  }
0x59: {  	_ =	shalt  }
0x5a: {  	_ =	shalt  }
0x5b: {  	_ =	shalt  }
0x5c: {  	_ =	shalt  }
0x5d: {  	_ =	shalt  }
0x5e: {  	_ =	shalt  }
0x5f: {  	_ =	shalt  }
0x60: {  	_ =	shalt  }
0x61: {  	_ =	shalt  }
0x62: {  	_ =	shalt  }
0x63: {  	_ =	shalt  }
0x64: {  	_ =	shalt  }
0x65: {  	_ =	shalt  }
0x66: {  	_ =	shalt  }
0x67: {  	_ =	shalt  }
0x68: {  	_ =	shalt  }
0x69: {  	_ =	shalt  }
0x6a: {  	_ =	shalt  }
0x6b: {  	_ =	shalt  }
0x6c: {  	_ =	shalt  }
0x6d: {  	_ =	shalt  }
0x6e: {  	_ =	shalt  }
0x6f: {  	_ =	shalt  }
0x70: {  	_ =	shalt  }
0x71: {  	_ =	shalt  }
0x72: {  	_ =	shalt  }
0x73: {  	_ =	shalt  }
0x74: {  	_ =	shalt  }
0x75: {  	_ =	shalt  }
0x76: {  	_ =	shalt  }
0x77: {  	_ =	shalt  }
0x78: {  	_ =	shalt  }
0x79: {  	_ =	shalt  }
0x7a: {  	_ =	shalt  }
0x7b: {  	_ =	shalt  }
0x7c: {  	_ =	shalt  }
0x7d: {  	_ =	shalt  }
0x7e: {  	_ =	shalt  }
0x7f: {  	_ =	shalt  }
0x80: {  	_ =	shalt  }
0x81: {  	_ =	shalt  }
0x82: {  	_ =	shalt  }
0x83: {  	_ =	shalt  }
0x84: {  	_ =	shalt  }
0x85: {  	_ =	shalt  }
0x86: {  	_ =	shalt  }
0x87: {  	_ =	shalt  }
.Lfunc_end0:
.L_simem_size_0:
called_computation_lowered:
.L_overlay_start_0:
0x88: {  	s2 =	sld [smem:$0x3FD9]  }
0x89: {  	s3 =	sld [smem:$0x3FFE];
	_ =	sdelay $0x1  }
0x8a: {  	s1 =	srdreg.scid  }
0x8b: {  	s0 =	sand.u32 $0x1, s1  }
0x8c: {  	s16 =	sshll.u32 s0, $0xA;
	s2 =	sadd.s32 s3, s2  }
0x8d: {  	s2 =	sadd.s32 s2, s16  }
0x8e: {  	[smem:$0x3FBD] =	sst s2  }
0x8f: {  	_ = 	snop  }
0x90: {  	(tm) =	ssettm $0x1  }
0x91: {  	s17 =	sld [smem:$0x3FFB];
	_ =	sdelay $0x3  }
0x92: {  	_ =	strace s17  }
0x93: {  	s2 =	sld [smem:$0x3FFC];
	_ =	sdelay $0x3  }
0x94: {  	_ =	strace s2  }
0x95: {  	s2 =	sld [smem:$0x3FFD];
	_ =	sdelay $0x3  }
0x96: {  	_ =	strace s2  }
0x97: {  	_ =	strace $0x8FFFFFFF  }
0x98: {  	s18 =	sld [smem:$0x3FDB];
	_ =	sdelay $0x1  }
0x99: {  	s19 =	simm.s32 $_scs_section_size  }
0x9a: {  	s4 =	simm.s32 $_size__tile_overlayer_lowered;
	s5 =	simm.s32 $_tile_overlayer_lowered  }
0x9b: {  	s22 =	simm.s32 $0x1BFF;
	s21 =	sshll.u32 s5, $0x1;
	s2 =	sadd.s32 s19, s18  }
0x9c: {  	s6 =	simm.s32 $0x0;
	s20 =	sshll.u32 s4, $0x1;
	s4 =	sadd.s32 s21, s2  }
0x9d: {  	[timem:s6], [sflag:s22] =	dma.local [hbm:s4], s20  }
0x9e: {  	_ =	swait.ge [sflag:s22], s20  }
0x9f: {  	s3 =	ssub.s32 $0x0, s20;
	[sflag:s22] =	ssyncset.done $0x0  }
0xa0: {  	[sflag:s22] =	ssyncadd.s32 s3;
	_ =	sdelay $0x1  }
0xa1: {  	s23 =	simm.s32 $0x1B8B  }
0xa2: {  	_ =	swait.ge [sflag:s23], $0x1  }
0xa3: {  	[sflag:s23] =	ssyncset.done $0x0  }
0xa4: {  	s25 =	simm.s32 $0x1B8E;
	s24 =	sld [smem:$0x3FFE];
	[sflag:s23] =	ssyncadd.s32 $0xFFFFFFFF  }
0xa5: {  	s26 =	simm.s32 $execute0_lowered;
	[smem:$0x3FD2] =	sst s25  }
0xa6: {  	s4 =	sshll.u32 s26, $0x1;
	_ =	strace $0x80000046;
	[dreg:$0x1] =	wrdreg $0xFFFFFFFF  }
0xa7: {  	s28 =	simm.s32 $_size_execute0_lowered;
	s2 =	sadd.s32 s2, s4;
	[dreg:$0x0] =	wrdreg $0x0  }
0xa8: {  	s4 =	sshll.u32 s28, $0x1;
	[dreg:$0x2] =	wrdreg s2  }
0xa9: {  	[dreg:$0x3] =	wrdreg s4  }
0xaa: {  	[dreg:$0x4] =	wrdreg $0xC0  }
0xab: {  	_ =	task [dreg:s6], $0x5FFFF  }
0xac: {  	[dreg:$0x1] =	wrdreg $0xFFFFFFFF  }
0xad: {  	[dreg:$0x0] =	wrdreg $0x60  }
0xae: {  	[dreg:$0x2] =	wrdreg s24  }
0xaf: {  	[dreg:$0x3] =	wrdreg $0x9  }
0xb0: {  	_ =	task.clear_ibuf [dreg:s6], $0x4FFFF;
	_ =	strace $0x90000046  }
0xb1: {  	s29 =	simm.s32 $0x9;
	_ =	strace $0x80000048  }
0xb2: {  	_ =	swait.ge [sflag:s29], $0x1  }
0xb3: {  	[sflag:s29] =	ssyncadd.s32 $0xFFFFFFFF  }
0xb4: {  	_ =	strace $0x90000048  }
0xb5: {  	_ =	sfence  }
0xb6: {  	s30 =	sld [smem:$0x0];
	_ =	sdelay $0x2  }
0xb7: {  	s31 =	sshll.u32 s1, $0xD;
	s1 =	sshrl.u32 s1, $0x2  }
0xb8: {  	s3 =	sand.u32 $0x4000, s31;
	s1 =	sadd.s32 s1, s30  }
0xb9: {  	s0 =	sor.u32 s3, s0;
	s1 =	sshll.u32 s1, $0x11  }
0xba: {  	s0 =	sor.u32 s1, s0  }
0xbb: {  	s0 =	sadd.s32 $0x8F2B, s0  }
0xbc: {  	[sflag:s0] =	ssyncadd.remote.s32 $0x1  }
0xbd: {  	_ =	sfence.sel $0xFFFF  }
0xbe: {  	[dreg:$0x0] =	wrdreg $0xFFFFFFFF;
	(pc) =	sbr.abs _section_cstart, $3  }
0xbf: {  	[dreg:$0x1] =	wrdreg $0xFFFFFFFF  }
0xc0: {  	_ =	task.clear_ibuf [dreg:s6], $0x2FFFF;
	_ =	strace $0x9FFFFFFF  }
0xc1: {  	(tm) =	ssettm $0x7FFFFFFF  }
tec
execute0_lowered:
.L_overlay_start_1:
0x0: {  	(tag) =	ssettag $0x1  }
0x1: {  	s5 =	rddreg [dreg:$0x0]  }
0x2: {  	s0 =	rddreg [dreg:$0x1];
	s2 =	simm.s32 $0x0;
	s1 =	stileid.u32  }
0x3: {  	s4 =	srdreg.scid;
	s11 =	simm.s32 $0x3800;
	s12 =	simm.s32 $0x6000  }
0x4: {  	s13 =	simm.s32 $0x8800;
	s14 =	simm.s32 $0xB000;
	s15 =	simm.s32 $0x1  }
0x5: {  	s16 =	simm.s32 $0x2;
	s17 =	simm.s32 $0xD800;
	s18 =	simm.s32 $0x10000  }
0x6: {  	s19 =	simm.s32 $0x12800;
	s20 =	simm.s32 $0x15000;
	s21 =	simm.s32 $0x17800  }
0x7: {  	s22 =	simm.s32 $0x0;
	[smem:$0x7FF] =	sst s2;
	s3 =	sadd.s32 $0x2C00, s5  }
0x8: {  	s6 =	smul.u32 $0x9C400, s1;
	s7 =	sand.u32 $0x1, s4;
	s4 =	sadd.s32 $0x64A00, s5  }
0x9: {  	s10 =	sshll.u32 s1, $0x1;
	_ =	strace $0x80000047;
	s8 =	ssub.s32 $0x2, s7  }
0xa: {  	s9 =	smul.u32 $0x4E200, s7;
	s7 =	sor.u32 s7, s10;
	s30 =	sshrl.u32 s8, $0x1  }
0xb: {  	s10 =	simm.s32 $0x1000;
	s5 =	sadd.s32 s6, s5;
	s6 =	ssub.s32 s8, s30  }
0xc: {  	s31 =	sadd.s32 s9, s5;
	s5 =	smul.u32 $0x4E20, s7;
	s8 =	simm.s32 $0x3  }
0xd: {  	s9 =	simm.s32 $0x50;
	s6 =	smax.u32 s6, $0x1;
	s7 =	sadd.s32 $0x79D00, s31  }
.LBB2_1:
0xe: {  	s23 =	smov.u32 s7;
	s24 =	simm.s32 $0x0  }
.LBB2_2:
0xf: {  	s25 =	smul.u32 $0xFA0, s24;
	_ =	sdelay $0x1  }
0x10: {  	s25 =	sadd.s32 s5, s25  }
0x11: {  	s25 =	sshrl.u32 s25, $0x3  }
0x12: {  	s26 =	simm.s32 $0x0;
	s25 =	sadd.s32 s4, s25  }
0x13: {  	[tilespmem:s26], [sflag:$0x3] =	stream.linear.gather [hbm4b:s25+s26], $0xFA0, $0x38;
	[tilespmem:$0x1A000] =	vst v63  }
0x14: {  	_ =	swait.ge [sflag:s8], $0xFA0  }
0x15: {  	[sflag:s8] =	ssyncset.done $0x0  }
0x16: {  	s28 =	simm.s32 $0x0;
	[sflag:s8] =	ssyncadd.s32 $0xFFFFF060  }
0x17: {  	[tilespmem:s10], [sflag:$0x1] =	stream.indirect.gather [hbm4b:s3+s9], $0x80, s28, s9, $0xb8;
	[tilespmem:$0x1A000] =	vst v63  }
0x18: {  	s29 =	simm.s32 $0x50  }
0x19: {  	[tilespmem:s11], [sflag:$0x1] =	stream.indirect.gather [hbm4b:s3+s9], $0x80, s29, s9, $0xb8;
	[tilespmem:$0x1A000] =	vst v63  }
0x1a: {  	s31 =	simm.s32 $0xA0  }
0x1b: {  	[tilespmem:s12], [sflag:$0x1] =	stream.indirect.gather [hbm4b:s3+s9], $0x80, s31, s9, $0xb8;
	[tilespmem:$0x1A000] =	vst v63  }
0x1c: {  	s26 =	simm.s32 $0xF0  }
0x1d: {  	[tilespmem:s13], [sflag:$0x1] =	stream.indirect.gather [hbm4b:s3+s9], $0x80, s26, s9, $0xb8;
	[tilespmem:$0x1A000] =	vst v63  }
0x1e: {  	s28 =	simm.s32 $0x140  }
0x1f: {  	[tilespmem:s14], [sflag:$0x1] =	stream.indirect.gather [hbm4b:s3+s9], $0x80, s28, s9, $0xb8;
	[tilespmem:$0x1A000] =	vst v63  }
0x20: {  	_ =	swait.ge [sflag:s15], $0x2800  }
0x21: {  	[sflag:s15] =	ssyncset.done $0x0  }
0x22: {  	[sflag:s15] =	ssyncadd.s32 $0xFFFFD800  }
0x23: {  	_ =	swait.ge [sflag:s15], $0x2800  }
0x24: {  	[sflag:s15] =	ssyncset.done $0x0  }
0x25: {  	[sflag:s15] =	ssyncadd.s32 $0xFFFFD800  }
0x26: {  	_ =	swait.ge [sflag:s15], $0x2800  }
0x27: {  	[sflag:s15] =	ssyncset.done $0x0  }
0x28: {  	[sflag:s15] =	ssyncadd.s32 $0xFFFFD800  }
0x29: {  	_ =	swait.ge [sflag:s15], $0x2800  }
0x2a: {  	[sflag:s15] =	ssyncset.done $0x0  }
0x2b: {  	[sflag:s15] =	ssyncadd.s32 $0xFFFFD800  }
0x2c: {  	_ =	swait.ge [sflag:s15], $0x2800  }
0x2d: {  	[sflag:s15] =	ssyncset.done $0x0  }
0x2e: {  	s29 =	sadd.s32 $0xFFFFE700, s23;
	[sflag:s15] =	ssyncadd.s32 $0xFFFFD800  }
0x2f: {  	[hbm4b:s29+s2] =	stream.linear.scatter [tilespmem:s10], [sflag:$0x2], $0xC800, $0x38;
	[tilespmem:$0x1A000] =	vst v63  }
0x30: {  	_ =	swait.ge [sflag:s16], $0xC800  }
0x31: {  	[sflag:s16] =	ssyncset.done $0x0  }
0x32: {  	s31 =	simm.s32 $0x190;
	[sflag:s16] =	ssyncadd.s32 $0xFFFF3800  }
0x33: {  	[tilespmem:s17], [sflag:$0x1] =	stream.indirect.gather [hbm4b:s3+s9], $0x80, s31, s9, $0xb8;
	[tilespmem:$0x1A000] =	vst v63  }
0x34: {  	s26 =	simm.s32 $0x1E0  }
0x35: {  	[tilespmem:s18], [sflag:$0x1] =	stream.indirect.gather [hbm4b:s3+s9], $0x80, s26, s9, $0xb8;
	[tilespmem:$0x1A000] =	vst v63  }
0x36: {  	s28 =	simm.s32 $0x230  }
0x37: {  	[tilespmem:s19], [sflag:$0x1] =	stream.indirect.gather [hbm4b:s3+s9], $0x80, s28, s9, $0xb8;
	[tilespmem:$0x1A000] =	vst v63  }
0x38: {  	s29 =	simm.s32 $0x280  }
0x39: {  	[tilespmem:s20], [sflag:$0x1] =	stream.indirect.gather [hbm4b:s3+s9], $0x80, s29, s9, $0xb8;
	[tilespmem:$0x1A000] =	vst v63  }
0x3a: {  	s31 =	simm.s32 $0x2D0  }
0x3b: {  	[tilespmem:s21], [sflag:$0x1] =	stream.indirect.gather [hbm4b:s3+s9], $0x80, s31, s9, $0xb8;
	[tilespmem:$0x1A000] =	vst v63  }
0x3c: {  	_ =	swait.ge [sflag:s15], $0x2800  }
0x3d: {  	[sflag:s15] =	ssyncset.done $0x0  }
0x3e: {  	[sflag:s15] =	ssyncadd.s32 $0xFFFFD800  }
0x3f: {  	_ =	swait.ge [sflag:s15], $0x2800  }
0x40: {  	[sflag:s15] =	ssyncset.done $0x0  }
0x41: {  	[sflag:s15] =	ssyncadd.s32 $0xFFFFD800  }
0x42: {  	_ =	swait.ge [sflag:s15], $0x2800  }
0x43: {  	[sflag:s15] =	ssyncset.done $0x0  }
0x44: {  	[sflag:s15] =	ssyncadd.s32 $0xFFFFD800  }
0x45: {  	_ =	swait.ge [sflag:s15], $0x2800  }
0x46: {  	[sflag:s15] =	ssyncset.done $0x0  }
0x47: {  	[sflag:s15] =	ssyncadd.s32 $0xFFFFD800  }
0x48: {  	_ =	swait.ge [sflag:s15], $0x2800  }
0x49: {  	[sflag:s15] =	ssyncset.done $0x0  }
0x4a: {  	[sflag:s15] =	ssyncadd.s32 $0xFFFFD800  }
0x4b: {  	[hbm4b:s23+s2] =	stream.linear.scatter [tilespmem:s17], [sflag:$0x2], $0xC800, $0x38;
	[tilespmem:$0x1A000] =	vst v63  }
0x4c: {  	s30 =	simm.s32 $0x1900;
	_ =	swait.ge [sflag:s16], $0xC800  }
0x4d: {  	s25 =	sadd.s32 $0x3200, s23;
	s26 =	simm.s32 $0xC80;
	[sflag:s16] =	ssyncset.done $0x0  }
.LBB2_3:
0x4e: {  	s29 =	sshra.s32 s26, $0x2  }
0x4f: {  	[sflag:s16] =	ssyncadd.s32 $0xFFFF3800;
	s26 =	smov.u32 s30;
	s28 =	sadd.s32 $0xC80, s30  }
0x50: {  	[tilespmem:s10], [sflag:$0x1] =	stream.indirect.gather [hbm4b:s3+s9], $0x80, s29, s9, $0xb8;
	[tilespmem:$0x1A000] =	vst v63  }
0x51: {  	p0 =	sne.s32 s30, $0x3200;
	s30 =	sadd.s32 $0x50, s29  }
0x52: {  	[tilespmem:s11], [sflag:$0x1] =	stream.indirect.gather [hbm4b:s3+s9], $0x80, s30, s9, $0xb8;
	[tilespmem:$0x1A000] =	vst v63  }
0x53: {  	s30 =	sadd.s32 $0xA0, s29  }
0x54: {  	[tilespmem:s12], [sflag:$0x1] =	stream.indirect.gather [hbm4b:s3+s9], $0x80, s30, s9, $0xb8;
	[tilespmem:$0x1A000] =	vst v63  }
0x55: {  	s30 =	sadd.s32 $0xF0, s29  }
0x56: {  	[tilespmem:s13], [sflag:$0x1] =	stream.indirect.gather [hbm4b:s3+s9], $0x80, s30, s9, $0xb8;
	[tilespmem:$0x1A000] =	vst v63  }
0x57: {  	s30 =	sadd.s32 $0x140, s29  }
0x58: {  	[tilespmem:s14], [sflag:$0x1] =	stream.indirect.gather [hbm4b:s3+s9], $0x80, s30, s9, $0xb8;
	[tilespmem:$0x1A000] =	vst v63  }
0x59: {  	_ =	swait.ge [sflag:s15], $0x2800  }
0x5a: {  	[sflag:s15] =	ssyncset.done $0x0  }
0x5b: {  	[sflag:s15] =	ssyncadd.s32 $0xFFFFD800  }
0x5c: {  	_ =	swait.ge [sflag:s15], $0x2800  }
0x5d: {  	[sflag:s15] =	ssyncset.done $0x0  }
0x5e: {  	[sflag:s15] =	ssyncadd.s32 $0xFFFFD800  }
0x5f: {  	_ =	swait.ge [sflag:s15], $0x2800  }
0x60: {  	[sflag:s15] =	ssyncset.done $0x0  }
0x61: {  	[sflag:s15] =	ssyncadd.s32 $0xFFFFD800  }
0x62: {  	_ =	swait.ge [sflag:s15], $0x2800  }
0x63: {  	[sflag:s15] =	ssyncset.done $0x0  }
0x64: {  	[sflag:s15] =	ssyncadd.s32 $0xFFFFD800  }
0x65: {  	_ =	swait.ge [sflag:s15], $0x2800  }
0x66: {  	[sflag:s15] =	ssyncset.done $0x0  }
0x67: {  	s30 =	sadd.s32 $0xFFFFE700, s25;
	[sflag:s15] =	ssyncadd.s32 $0xFFFFD800  }
0x68: {  	[hbm4b:s30+s2] =	stream.linear.scatter [tilespmem:s10], [sflag:$0x2], $0xC800, $0x38;
	[tilespmem:$0x1A000] =	vst v63  }
0x69: {  	_ =	swait.ge [sflag:s16], $0xC800  }
0x6a: {  	[sflag:s16] =	ssyncset.done $0x0  }
0x6b: {  	s30 =	sadd.s32 $0x190, s29;
	[sflag:s16] =	ssyncadd.s32 $0xFFFF3800  }
0x6c: {  	[tilespmem:s17], [sflag:$0x1] =	stream.indirect.gather [hbm4b:s3+s9], $0x80, s30, s9, $0xb8;
	[tilespmem:$0x1A000] =	vst v63  }
0x6d: {  	s30 =	sadd.s32 $0x1E0, s29  }
0x6e: {  	[tilespmem:s18], [sflag:$0x1] =	stream.indirect.gather [hbm4b:s3+s9], $0x80, s30, s9, $0xb8;
	[tilespmem:$0x1A000] =	vst v63  }
0x6f: {  	s30 =	sadd.s32 $0x230, s29  }
0x70: {  	[tilespmem:s19], [sflag:$0x1] =	stream.indirect.gather [hbm4b:s3+s9], $0x80, s30, s9, $0xb8;
	[tilespmem:$0x1A000] =	vst v63  }
0x71: {  	s30 =	sadd.s32 $0x280, s29  }
0x72: {  	[tilespmem:s20], [sflag:$0x1] =	stream.indirect.gather [hbm4b:s3+s9], $0x80, s30, s9, $0xb8;
	[tilespmem:$0x1A000] =	vst v63  }
0x73: {  	s29 =	sadd.s32 $0x2D0, s29  }
0x74: {  	[tilespmem:s21], [sflag:$0x1] =	stream.indirect.gather [hbm4b:s3+s9], $0x80, s29, s9, $0xb8;
	[tilespmem:$0x1A000] =	vst v63  }
0x75: {  	_ =	swait.ge [sflag:s15], $0x2800  }
0x76: {  	[sflag:s15] =	ssyncset.done $0x0  }
0x77: {  	[sflag:s15] =	ssyncadd.s32 $0xFFFFD800  }
0x78: {  	_ =	swait.ge [sflag:s15], $0x2800  }
0x79: {  	[sflag:s15] =	ssyncset.done $0x0  }
0x7a: {  	[sflag:s15] =	ssyncadd.s32 $0xFFFFD800  }
0x7b: {  	_ =	swait.ge [sflag:s15], $0x2800  }
0x7c: {  	[sflag:s15] =	ssyncset.done $0x0  }
0x7d: {  	[sflag:s15] =	ssyncadd.s32 $0xFFFFD800  }
0x7e: {  	_ =	swait.ge [sflag:s15], $0x2800  }
0x7f: {  	[sflag:s15] =	ssyncset.done $0x0  }
0x80: {  	[sflag:s15] =	ssyncadd.s32 $0xFFFFD800  }
0x81: {  	_ =	swait.ge [sflag:s15], $0x2800  }
.Ltmp0:
0x82: {  	[sflag:s15] =	ssyncset.done $0x0;
	(pc) =	sbr.rel @p0 .LBB2_3-.Ltmp0, $4  }
0x83: {  	[sflag:s15] =	ssyncadd.s32 $0xFFFFD800  }
0x84: {  	[hbm4b:s25+s2] =	stream.linear.scatter [tilespmem:s17], [sflag:$0x2], $0xC800, $0x38;
	[tilespmem:$0x1A000] =	vst v63  }
0x85: {  	_ =	swait.ge [sflag:s16], $0xC800  }
0x86: {  	s30 =	smov.u32 s28;
	s25 =	sadd.s32 $0x3200, s25;
	[sflag:s16] =	ssyncset.done $0x0  }
0x87: {  	s26 =	sshra.s32 s26, $0x2;
	[sflag:s16] =	ssyncadd.s32 $0xFFFF3800  }
0x88: {  	[tilespmem:s10], [sflag:$0x1] =	stream.indirect.gather [hbm4b:s3+s9], $0x80, s26, s9, $0xb8;
	[tilespmem:$0x1A000] =	vst v63  }
0x89: {  	s28 =	sadd.s32 $0x50, s26  }
0x8a: {  	[tilespmem:s11], [sflag:$0x1] =	stream.indirect.gather [hbm4b:s3+s9], $0x80, s28, s9, $0xb8;
	[tilespmem:$0x1A000] =	vst v63  }
0x8b: {  	s30 =	sadd.s32 $0xA0, s26  }
0x8c: {  	[tilespmem:s12], [sflag:$0x1] =	stream.indirect.gather [hbm4b:s3+s9], $0x80, s30, s9, $0xb8;
	[tilespmem:$0x1A000] =	vst v63  }
0x8d: {  	s31 =	sadd.s32 $0xF0, s26  }
0x8e: {  	[tilespmem:s13], [sflag:$0x1] =	stream.indirect.gather [hbm4b:s3+s9], $0x80, s31, s9, $0xb8;
	[tilespmem:$0x1A000] =	vst v63  }
0x8f: {  	s29 =	sadd.s32 $0x140, s26  }
0x90: {  	[tilespmem:s14], [sflag:$0x1] =	stream.indirect.gather [hbm4b:s3+s9], $0x80, s29, s9, $0xb8;
	[tilespmem:$0x1A000] =	vst v63  }
0x91: {  	_ =	swait.ge [sflag:s15], $0x2800  }
0x92: {  	[sflag:s15] =	ssyncset.done $0x0  }
0x93: {  	[sflag:s15] =	ssyncadd.s32 $0xFFFFD800  }
0x94: {  	_ =	swait.ge [sflag:s15], $0x2800  }
0x95: {  	[sflag:s15] =	ssyncset.done $0x0  }
0x96: {  	[sflag:s15] =	ssyncadd.s32 $0xFFFFD800  }
0x97: {  	_ =	swait.ge [sflag:s15], $0x2800  }
0x98: {  	[sflag:s15] =	ssyncset.done $0x0  }
0x99: {  	[sflag:s15] =	ssyncadd.s32 $0xFFFFD800  }
0x9a: {  	_ =	swait.ge [sflag:s15], $0x2800  }
0x9b: {  	[sflag:s15] =	ssyncset.done $0x0  }
0x9c: {  	[sflag:s15] =	ssyncadd.s32 $0xFFFFD800  }
0x9d: {  	_ =	swait.ge [sflag:s15], $0x2800  }
0x9e: {  	[sflag:s15] =	ssyncset.done $0x0  }
0x9f: {  	s30 =	sadd.s32 $0xFFFFE700, s25;
	[sflag:s15] =	ssyncadd.s32 $0xFFFFD800  }
0xa0: {  	[hbm4b:s30+s2] =	stream.linear.scatter [tilespmem:s10], [sflag:$0x2], $0xC800, $0x38;
	[tilespmem:$0x1A000] =	vst v63  }
0xa1: {  	_ =	swait.ge [sflag:s16], $0xC800  }
0xa2: {  	[sflag:s16] =	ssyncset.done $0x0  }
0xa3: {  	s31 =	sadd.s32 $0x190, s26;
	[sflag:s16] =	ssyncadd.s32 $0xFFFF3800  }
0xa4: {  	[tilespmem:s17], [sflag:$0x1] =	stream.indirect.gather [hbm4b:s3+s9], $0x80, s31, s9, $0xb8;
	[tilespmem:$0x1A000] =	vst v63  }
0xa5: {  	s29 =	sadd.s32 $0x1E0, s26  }
0xa6: {  	[tilespmem:s18], [sflag:$0x1] =	stream.indirect.gather [hbm4b:s3+s9], $0x80, s29, s9, $0xb8;
	[tilespmem:$0x1A000] =	vst v63  }
0xa7: {  	s30 =	sadd.s32 $0x230, s26  }
0xa8: {  	[tilespmem:s19], [sflag:$0x1] =	stream.indirect.gather [hbm4b:s3+s9], $0x80, s30, s9, $0xb8;
	[tilespmem:$0x1A000] =	vst v63  }
0xa9: {  	s31 =	sadd.s32 $0x280, s26  }
0xaa: {  	[tilespmem:s20], [sflag:$0x1] =	stream.indirect.gather [hbm4b:s3+s9], $0x80, s31, s9, $0xb8;
	[tilespmem:$0x1A000] =	vst v63  }
0xab: {  	s26 =	sadd.s32 $0x2D0, s26  }
0xac: {  	[tilespmem:s21], [sflag:$0x1] =	stream.indirect.gather [hbm4b:s3+s9], $0x80, s26, s9, $0xb8;
	[tilespmem:$0x1A000] =	vst v63  }
0xad: {  	_ =	swait.ge [sflag:s15], $0x2800  }
0xae: {  	[sflag:s15] =	ssyncset.done $0x0  }
0xaf: {  	[sflag:s15] =	ssyncadd.s32 $0xFFFFD800  }
0xb0: {  	_ =	swait.ge [sflag:s15], $0x2800  }
0xb1: {  	[sflag:s15] =	ssyncset.done $0x0  }
0xb2: {  	[sflag:s15] =	ssyncadd.s32 $0xFFFFD800  }
0xb3: {  	_ =	swait.ge [sflag:s15], $0x2800  }
0xb4: {  	[sflag:s15] =	ssyncset.done $0x0  }
0xb5: {  	[sflag:s15] =	ssyncadd.s32 $0xFFFFD800  }
0xb6: {  	_ =	swait.ge [sflag:s15], $0x2800  }
0xb7: {  	[sflag:s15] =	ssyncset.done $0x0  }
0xb8: {  	[sflag:s15] =	ssyncadd.s32 $0xFFFFD800  }
0xb9: {  	s24 =	sadd.s32 $0x1, s24;
	_ =	swait.ge [sflag:s15], $0x2800  }
0xba: {  	p0 =	sne.s32 s24, $0x5;
	[sflag:s15] =	ssyncset.done $0x0  }
.Ltmp1:
0xbb: {  	[sflag:s15] =	ssyncadd.s32 $0xFFFFD800;
	(pc) =	sbr.rel @p0 .LBB2_2-.Ltmp1, $4  }
0xbc: {  	[hbm4b:s25+s2] =	stream.linear.scatter [tilespmem:s17], [sflag:$0x2], $0xC800, $0x38;
	[tilespmem:$0x1A000] =	vst v63  }
0xbd: {  	_ =	swait.ge [sflag:s16], $0xC800  }
0xbe: {  	[sflag:s16] =	ssyncset.done $0x0  }
0xbf: {  	s23 =	sadd.s32 $0xFA00, s23;
	[sflag:s16] =	ssyncadd.s32 $0xFFFF3800  }
0xc0: {  	s22 =	sadd.s32 $0x1, s22  }
0xc1: {  	p0 =	sne.s32 s22, s6  }
.Ltmp2:
0xc2: {  	_ = 	snop;
	(pc) =	sbr.rel @p0 .LBB2_1-.Ltmp2, $1  }
0xc3: {  	_ =	sdelay $0x3  }
0xc4: {  	_ =	sfence.sel $0x180000  }
0xc5: {  	[bflag:$0x0] =	sbarrier.arrive $0xFFFF  }
0xc6: {  	p0 =	sne.s32 s1, $0x0;
	_ =	strace $0x90000047  }
0xc7: {  	s0 =	sadd.s32 @!p0 $0x100000, s0;
	[bflag:$0x2] =	sbarrier.arrive $0xFFFF  }
0xc8: {  	[sflag:s0] =	ssyncadd.tile.s32 @!p0 $0x1;
	_ =	shalt  }
.Lfunc_end2:
_tile_overlayer_lowered:
.L_overlay_start_2:
0xc9: {  	(tag) =	ssettag $0x2  }
0xca: {  	s0 =	rddreg [dreg:$0x0];
	s2 =	stileid.u32  }
0xcb: {  	s1 =	rddreg [dreg:$0x1];
	p0 =	sne.s32 s2, $0x0  }
0xcc: {  	s3 =	rddreg [dreg:$0x2];
	[bflag:$0x3] =	sbarrier.arrive $0xFFFF;
	s2 =	simm.s32 @!p0 $0x1C03  }
0xcd: {  	[timem:s3], [sflag:s2] =	dma.local @!p0 [hbm:s0], s1  }
0xce: {  	s0 =	simm.s32 @!p0 $0x3  }
0xcf: {  	_ =	swait.ge @!p0 [sflag:s0], s1  }
0xd0: {  	s1 =	ssub.s32 @!p0 $0x0, s1;
	[sflag:s0] =	ssyncset.done @!p0 $0x0  }
0xd1: {  	[sflag:s0] =	ssyncadd.s32 @!p0 s1  }
0xd2: {  	[bflag:$0x3] =	sbarrier.arrive $0xFFFF  }
0xd3: {  	_ =	shalt  }

</sc_bundles>
